<compile_context>
chip_gen: v7x
topology: tpu7x:2x2x1
jax: 0.10.2.dev20260603
libtpu: 0.0.44.dev20260713+nightly
codegen_flags: <defaults>
</compile_context>

<pallas_src>
import functools

import jax
import jax.numpy as jnp
from jax import lax
from jax.experimental import pallas as pl
from jax.experimental.pallas import tpu as pltpu
from jax.experimental.pallas import tpu_sc as plsc

_SHAPE = (1, 3, 64, 256, 256)
_P = _SHAPE[2] * _SHAPE[3] * _SHAPE[4]
_NW = 32
_TOK_PER_W = _P // _NW
_CH = 8192
_NCHUNK = _TOK_PER_W // _CH
_NV = _CH // 16


def _log_s(s):
    r = (s - 1.0) / (s + 1.0)
    r2 = r * r
    p = ((((r2 * (1.0 / 11.0) + 1.0 / 9.0) * r2 + 1.0 / 7.0) * r2
          + 1.0 / 5.0) * r2 + 1.0 / 3.0) * r2 + 1.0
    return (2.0 * r) * p


_mesh = plsc.VectorSubcoreMesh(core_axis_name="c", subcore_axis_name="s")


@functools.partial(
    pl.kernel,
    mesh=_mesh,
    out_type=jax.ShapeDtypeStruct((_NW, 96), jnp.float32),
    scratch_types=[
        pltpu.VMEM((_CH,), jnp.float32),
        pltpu.VMEM((_CH,), jnp.float32),
        pltpu.VMEM((_CH,), jnp.float32),
        pltpu.VMEM((_CH,), jnp.int32),
        pltpu.VMEM((_CH,), jnp.int32),
        pltpu.VMEM((96,), jnp.float32),
    ],
)
def _sc_partials(x_hbm, l_hbm, out_hbm, bx0, bx1, bx2, bl1, bl2, bout):
    wid = lax.axis_index("s") * 2 + lax.axis_index("c")
    base = wid * _TOK_PER_W

    def chunk_body(k, carry):
        off = base + k * _CH
        pltpu.sync_copy(x_hbm.at[pl.ds(off, _CH)], bx0)
        pltpu.sync_copy(x_hbm.at[pl.ds(_P + off, _CH)], bx1)
        pltpu.sync_copy(x_hbm.at[pl.ds(2 * _P + off, _CH)], bx2)
        pltpu.sync_copy(l_hbm.at[pl.ds(_P + off, _CH)], bl1)
        pltpu.sync_copy(l_hbm.at[pl.ds(2 * _P + off, _CH)], bl2)

        def vec_body(i, c):
            a0, a1, a2, n0, n1, n2 = c
            sl = pl.ds(i * 16, 16)
            x0 = bx0[sl]
            x1 = bx1[sl]
            x2 = bx2[sl]
            lab = bl1[sl] + 2 * bl2[sl]
            m = jnp.maximum(jnp.maximum(x0, x1), x2)
            s = jnp.exp(x0 - m) + jnp.exp(x1 - m) + jnp.exp(x2 - m)
            is0 = lab == 0
            is1 = lab == 1
            is2 = lab == 2
            x_sel = jnp.where(is0, x0, jnp.where(is1, x1, x2))
            err = _log_s(s) + (m - x_sel)
            zero = jnp.zeros_like(err)
            one = jnp.ones_like(err)
            return (a0 + jnp.where(is0, err, zero),
                    a1 + jnp.where(is1, err, zero),
                    a2 + jnp.where(is2, err, zero),
                    n0 + jnp.where(is0, one, zero),
                    n1 + jnp.where(is1, one, zero),
                    n2 + jnp.where(is2, one, zero))

        return lax.fori_loop(0, _NV, vec_body, carry)

    z = jnp.zeros((16,), jnp.float32)
    acc = lax.fori_loop(0, _NCHUNK, chunk_body, (z, z, z, z, z, z))
    for k in range(6):
        bout[pl.ds(k * 16, 16)] = acc[k]
    pltpu.sync_copy(bout, out_hbm.at[wid])


def kernel(probas, labels):
    x = probas.reshape(-1)
    l = labels.reshape(-1)
    parts = _sc_partials(x, l)
    p6 = parts.reshape(_NW, 6, 16).sum(axis=(0, 2))
    sums = p6[:3]
    counts = p6[3:]
    losses = jnp.where(counts > 0, sums / counts, 0.0)
    return jnp.mean(losses)

# --- scband reference (transcript-rebuilt; emitter-appended) ---
"""Pipeline reference for scband-lovasz-softmax-75402445849362 (READ-ONLY COPY).

The authoritative reference and input builder live on the scoring server;
editing this copy changes nothing except your own understanding.
"""

import jax, jax.numpy as jnp
import numpy as np

SHAPE = (1, 3, 64, 256, 256)
SMOOTH = 1e-08
WEIGHT = (1.0, 1.0, 1.0)


def setup_inputs(seed: int = 0) -> dict:
    key = jax.random.key(seed)
    k1, k2 = jax.random.split(key)
    probas = jax.random.normal(k1, SHAPE, dtype=jnp.float32)
    labels = jax.random.randint(k2, SHAPE, 0, 2, dtype=jnp.int32)
    return {"probas": probas, "labels": labels}


def _flatten_probas(probas, labels):
    B, C, D, H, W = probas.shape
    p = jax.nn.softmax(probas, axis=1)
    p = jnp.transpose(p, (0, 2, 3, 4, 1)).reshape(-1, C)
    ch0 = jnp.where(labels[0, 0] == 1, 0, labels[0, 0])
    ch1 = labels[0, 1]
    ch2 = jnp.where(labels[0, 2] == 1, 2, labels[0, 2])
    lab = (ch0 + ch1 + ch2).astype(jnp.int32).reshape(-1)
    return p, lab


def _lovasz_grad(fg_sorted):
    gts = jnp.sum(fg_sorted)
    intersection = gts - jnp.cumsum(fg_sorted)
    union = gts + jnp.cumsum(1.0 - fg_sorted)
    jaccard = 1.0 - intersection / union
    jaccard = jnp.concatenate([jaccard[:1], jaccard[1:] - jaccard[:-1]])
    return jaccard


def reference(probas, labels):
    weight = jnp.asarray(WEIGHT, dtype=jnp.float32)
    p, lab = _flatten_probas(probas, labels)
    C = p.shape[1]
    losses = []
    for c in range(C):
        fg = (lab == c).astype(jnp.float32)
        class_pred = p[:, c]
        # CELoss(weight=[1,1,1], softmax=False, average='None'): errors = -fg * log(pred + smooth)
        errors = -fg * jnp.log(class_pred + SMOOTH)
        order = jnp.argsort(-errors)  # descending sort of errors
        errors_sorted = errors[order]
        fg_sorted = fg[order]
        grad = jax.lax.stop_gradient(_lovasz_grad(fg_sorted))
        losses.append(weight[c] * jnp.dot(errors_sorted, grad))
    # classes='present': with random 3-channel labels all classes are present w.p. ~1
    return sum(losses) / len(losses)

if __name__ == "__main__":
    import jax
    _d = setup_inputs()
    print(jax.jit(kernel)(*tuple(_d.values())))

</pallas_src>

<mosaic_0001>
#map = affine_map<(d0, d1) -> (0)>
#map1 = affine_map<(d0, d1) -> (0, 0)>
module attributes {stable_mosaic.version = 14 : i64} {
  func.func @_sc_partials(%arg0: i32, %arg1: i32, %arg2: memref<12582912xf32, #tpu.memory_space<hbm>>, %arg3: memref<12582912xi32, #tpu.memory_space<hbm>>, %arg4: memref<32x96xf32, #tpu.memory_space<hbm>>, %arg5: memref<8192xf32, #tpu.memory_space<vmem>>, %arg6: memref<8192xf32, #tpu.memory_space<vmem>>, %arg7: memref<8192xf32, #tpu.memory_space<vmem>>, %arg8: memref<8192xi32, #tpu.memory_space<vmem>>, %arg9: memref<8192xi32, #tpu.memory_space<vmem>>, %arg10: memref<96xf32, #tpu.memory_space<vmem>>) attributes {dimension_semantics = [#tpu.dimension_semantics<core_parallel>, #tpu.dimension_semantics<subcore_parallel>], iteration_bounds = array<i64: 2, 16>, scalar_prefetch = 0 : i64, scratch_operands = 6 : i64, tpu.core_type = #tpu.core_type<sc_vector_subcore>, window_params = [{transform_indices = #map}, {transform_indices = #map}, {transform_indices = #map1}]} {
    %mul3A = arith.constant 2 : i32
    %mul3A_0 = arith.muli %arg1, %mul3A : i32
    %add3A = arith.addi %mul3A_0, %arg0 : i32
    %mul3A_1 = arith.constant 131072 : i32
    %mul3A_2 = arith.muli %add3A, %mul3A_1 : i32
    %broadcast_in_dim3A = arith.constant 0.000000e+00 : f32
    %broadcast_in_dim3A_3 = vector.broadcast %broadcast_in_dim3A : f32 to vector<16xf32>
    %scan3A = arith.constant 0 : i32
    %scan3A_4 = arith.constant 16 : i32
    %scan3A_5 = arith.addi %scan3A, %scan3A_4 : i32
    %scan3A_6 = arith.constant 1 : i32
    %scan3A_7:6 = scf.for %scan3A_32 = %scan3A to %scan3A_5 step %scan3A_6 iter_args(%scan3A_33 = %broadcast_in_dim3A_3, %scan3A_34 = %broadcast_in_dim3A_3, %scan3A_35 = %broadcast_in_dim3A_3, %scan3A_36 = %broadcast_in_dim3A_3, %scan3A_37 = %broadcast_in_dim3A_3, %scan3A_38 = %broadcast_in_dim3A_3) -> (vector<16xf32>, vector<16xf32>, vector<16xf32>, vector<16xf32>, vector<16xf32>, vector<16xf32>)  : i32 {
      %mul3A_39 = arith.constant 8192 : i32
      %mul3A_40 = arith.muli %scan3A_32, %mul3A_39 : i32
      %add3A_41 = arith.addi %mul3A_2, %mul3A_40 : i32
      "tpu.region"() ({
        %run_scoped3A = tpu.sem_alloc : memref<!tpu.dma_semaphore, #tpu.memory_space<semaphore_mem>>
        %dma_start3A = tpu.memref_slice %arg2[%add3A_41] : memref<12582912xf32, #tpu.memory_space<hbm>> -> memref<8192xf32, #tpu.memory_space<hbm>>
        %dma_start3A_56 = tpu.memref_slice %arg2[%add3A_41] : memref<12582912xf32, #tpu.memory_space<hbm>> -> memref<8192xf32, #tpu.memory_space<hbm>>
        tpu.enqueue_dma source(%dma_start3A_56 : memref<8192xf32, #tpu.memory_space<hbm>>) target(%arg5 : memref<8192xf32, #tpu.memory_space<vmem>>) target_semaphore(%run_scoped3A : memref<!tpu.dma_semaphore, #tpu.memory_space<semaphore_mem>>)
        %dma_wait3A = tpu.memref_slice %arg2[%add3A_41] : memref<12582912xf32, #tpu.memory_space<hbm>> -> memref<8192xf32, #tpu.memory_space<hbm>>
        %dma_wait3A_57 = tpu.memref_slice %arg2[%add3A_41] : memref<12582912xf32, #tpu.memory_space<hbm>> -> memref<8192xf32, #tpu.memory_space<hbm>>
        tpu.wait_dma2 semaphore(%run_scoped3A : memref<!tpu.dma_semaphore, #tpu.memory_space<semaphore_mem>>) src(%dma_wait3A_57 : memref<8192xf32, #tpu.memory_space<hbm>>) dst(%arg5 : memref<8192xf32, #tpu.memory_space<vmem>>)
        tpu.yield
      }) : () -> ()
      %add3A_42 = arith.constant 4194304 : i32
      %add3A_43 = arith.addi %add3A_42, %add3A_41 : i32
      "tpu.region"() ({
        %run_scoped3A = tpu.sem_alloc : memref<!tpu.dma_semaphore, #tpu.memory_space<semaphore_mem>>
        %dma_start3A = tpu.memref_slice %arg2[%add3A_43] : memref<12582912xf32, #tpu.memory_space<hbm>> -> memref<8192xf32, #tpu.memory_space<hbm>>
        %dma_start3A_56 = tpu.memref_slice %arg2[%add3A_43] : memref<12582912xf32, #tpu.memory_space<hbm>> -> memref<8192xf32, #tpu.memory_space<hbm>>
        tpu.enqueue_dma source(%dma_start3A_56 : memref<8192xf32, #tpu.memory_space<hbm>>) target(%arg6 : memref<8192xf32, #tpu.memory_space<vmem>>) target_semaphore(%run_scoped3A : memref<!tpu.dma_semaphore, #tpu.memory_space<semaphore_mem>>)
        %dma_wait3A = tpu.memref_slice %arg2[%add3A_43] : memref<12582912xf32, #tpu.memory_space<hbm>> -> memref<8192xf32, #tpu.memory_space<hbm>>
        %dma_wait3A_57 = tpu.memref_slice %arg2[%add3A_43] : memref<12582912xf32, #tpu.memory_space<hbm>> -> memref<8192xf32, #tpu.memory_space<hbm>>
        tpu.wait_dma2 semaphore(%run_scoped3A : memref<!tpu.dma_semaphore, #tpu.memory_space<semaphore_mem>>) src(%dma_wait3A_57 : memref<8192xf32, #tpu.memory_space<hbm>>) dst(%arg6 : memref<8192xf32, #tpu.memory_space<vmem>>)
        tpu.yield
      }) : () -> ()
      %add3A_44 = arith.constant 8388608 : i32
      %add3A_45 = arith.addi %add3A_44, %add3A_41 : i32
      "tpu.region"() ({
        %run_scoped3A = tpu.sem_alloc : memref<!tpu.dma_semaphore, #tpu.memory_space<semaphore_mem>>
        %dma_start3A = tpu.memref_slice %arg2[%add3A_45] : memref<12582912xf32, #tpu.memory_space<hbm>> -> memref<8192xf32, #tpu.memory_space<hbm>>
        %dma_start3A_56 = tpu.memref_slice %arg2[%add3A_45] : memref<12582912xf32, #tpu.memory_space<hbm>> -> memref<8192xf32, #tpu.memory_space<hbm>>
        tpu.enqueue_dma source(%dma_start3A_56 : memref<8192xf32, #tpu.memory_space<hbm>>) target(%arg7 : memref<8192xf32, #tpu.memory_space<vmem>>) target_semaphore(%run_scoped3A : memref<!tpu.dma_semaphore, #tpu.memory_space<semaphore_mem>>)
        %dma_wait3A = tpu.memref_slice %arg2[%add3A_45] : memref<12582912xf32, #tpu.memory_space<hbm>> -> memref<8192xf32, #tpu.memory_space<hbm>>
        %dma_wait3A_57 = tpu.memref_slice %arg2[%add3A_45] : memref<12582912xf32, #tpu.memory_space<hbm>> -> memref<8192xf32, #tpu.memory_space<hbm>>
        tpu.wait_dma2 semaphore(%run_scoped3A : memref<!tpu.dma_semaphore, #tpu.memory_space<semaphore_mem>>) src(%dma_wait3A_57 : memref<8192xf32, #tpu.memory_space<hbm>>) dst(%arg7 : memref<8192xf32, #tpu.memory_space<vmem>>)
        tpu.yield
      }) : () -> ()
      %add3A_46 = arith.constant 4194304 : i32
      %add3A_47 = arith.addi %add3A_46, %add3A_41 : i32
      "tpu.region"() ({
        %run_scoped3A = tpu.sem_alloc : memref<!tpu.dma_semaphore, #tpu.memory_space<semaphore_mem>>
        %dma_start3A = tpu.memref_slice %arg3[%add3A_47] : memref<12582912xi32, #tpu.memory_space<hbm>> -> memref<8192xi32, #tpu.memory_space<hbm>>
        %dma_start3A_56 = tpu.memref_slice %arg3[%add3A_47] : memref<12582912xi32, #tpu.memory_space<hbm>> -> memref<8192xi32, #tpu.memory_space<hbm>>
        tpu.enqueue_dma source(%dma_start3A_56 : memref<8192xi32, #tpu.memory_space<hbm>>) target(%arg8 : memref<8192xi32, #tpu.memory_space<vmem>>) target_semaphore(%run_scoped3A : memref<!tpu.dma_semaphore, #tpu.memory_space<semaphore_mem>>)
        %dma_wait3A = tpu.memref_slice %arg3[%add3A_47] : memref<12582912xi32, #tpu.memory_space<hbm>> -> memref<8192xi32, #tpu.memory_space<hbm>>
        %dma_wait3A_57 = tpu.memref_slice %arg3[%add3A_47] : memref<12582912xi32, #tpu.memory_space<hbm>> -> memref<8192xi32, #tpu.memory_space<hbm>>
        tpu.wait_dma2 semaphore(%run_scoped3A : memref<!tpu.dma_semaphore, #tpu.memory_space<semaphore_mem>>) src(%dma_wait3A_57 : memref<8192xi32, #tpu.memory_space<hbm>>) dst(%arg8 : memref<8192xi32, #tpu.memory_space<vmem>>)
        tpu.yield
      }) : () -> ()
      %add3A_48 = arith.constant 8388608 : i32
      %add3A_49 = arith.addi %add3A_48, %add3A_41 : i32
      "tpu.region"() ({
        %run_scoped3A = tpu.sem_alloc : memref<!tpu.dma_semaphore, #tpu.memory_space<semaphore_mem>>
        %dma_start3A = tpu.memref_slice %arg3[%add3A_49] : memref<12582912xi32, #tpu.memory_space<hbm>> -> memref<8192xi32, #tpu.memory_space<hbm>>
        %dma_start3A_56 = tpu.memref_slice %arg3[%add3A_49] : memref<12582912xi32, #tpu.memory_space<hbm>> -> memref<8192xi32, #tpu.memory_space<hbm>>
        tpu.enqueue_dma source(%dma_start3A_56 : memref<8192xi32, #tpu.memory_space<hbm>>) target(%arg9 : memref<8192xi32, #tpu.memory_space<vmem>>) target_semaphore(%run_scoped3A : memref<!tpu.dma_semaphore, #tpu.memory_space<semaphore_mem>>)
        %dma_wait3A = tpu.memref_slice %arg3[%add3A_49] : memref<12582912xi32, #tpu.memory_space<hbm>> -> memref<8192xi32, #tpu.memory_space<hbm>>
        %dma_wait3A_57 = tpu.memref_slice %arg3[%add3A_49] : memref<12582912xi32, #tpu.memory_space<hbm>> -> memref<8192xi32, #tpu.memory_space<hbm>>
        tpu.wait_dma2 semaphore(%run_scoped3A : memref<!tpu.dma_semaphore, #tpu.memory_space<semaphore_mem>>) src(%dma_wait3A_57 : memref<8192xi32, #tpu.memory_space<hbm>>) dst(%arg9 : memref<8192xi32, #tpu.memory_space<vmem>>)
        tpu.yield
      }) : () -> ()
      %scan3A_50 = arith.constant 0 : i32
      %scan3A_51 = arith.constant 512 : i32
      %scan3A_52 = arith.addi %scan3A_50, %scan3A_51 : i32
      %scan3A_53 = arith.constant 1 : i32
      %scan3A_54:6 = scf.for %scan3A_56 = %scan3A_50 to %scan3A_52 step %scan3A_53 iter_args(%scan3A_57 = %scan3A_33, %scan3A_58 = %scan3A_34, %scan3A_59 = %scan3A_35, %scan3A_60 = %scan3A_36, %scan3A_61 = %scan3A_37, %scan3A_62 = %scan3A_38) -> (vector<16xf32>, vector<16xf32>, vector<16xf32>, vector<16xf32>, vector<16xf32>, vector<16xf32>)  : i32 {
        %mul3A_63 = arith.constant 16 : i32
        %mul3A_64 = arith.muli %scan3A_56, %mul3A_63 : i32
        %get3A = arith.index_cast %mul3A_64 : i32 to index
        %get3A_65 = tpu.vector_load %arg5[%get3A] {strides = array<i32>} : memref<8192xf32, #tpu.memory_space<vmem>>, vector<16xf32>,
        %get3A_66 = vector.shape_cast %get3A_65 : vector<16xf32> to vector<16xf32>
        %get3A_67 = arith.index_cast %mul3A_64 : i32 to index
        %get3A_68 = tpu.vector_load %arg6[%get3A_67] {strides = array<i32>} : memref<8192xf32, #tpu.memory_space<vmem>>, vector<16xf32>,
        %get3A_69 = vector.shape_cast %get3A_68 : vector<16xf32> to vector<16xf32>
        %get3A_70 = arith.index_cast %mul3A_64 : i32 to index
        %get3A_71 = tpu.vector_load %arg7[%get3A_70] {strides = array<i32>} : memref<8192xf32, #tpu.memory_space<vmem>>, vector<16xf32>,
        %get3A_72 = vector.shape_cast %get3A_71 : vector<16xf32> to vector<16xf32>
        %get3A_73 = arith.index_cast %mul3A_64 : i32 to index
        %get3A_74 = tpu.vector_load %arg8[%get3A_73] {strides = array<i32>} : memref<8192xi32, #tpu.memory_space<vmem>>, vector<16xi32>,
        %get3A_75 = vector.shape_cast %get3A_74 : vector<16xi32> to vector<16xi32>
        %get3A_76 = arith.index_cast %mul3A_64 : i32 to index
        %get3A_77 = tpu.vector_load %arg9[%get3A_76] {strides = array<i32>} : memref<8192xi32, #tpu.memory_space<vmem>>, vector<16xi32>,
        %get3A_78 = vector.shape_cast %get3A_77 : vector<16xi32> to vector<16xi32>
        %mul3A_79 = arith.constant 2 : i32
        %mul3A_80 = vector.broadcast %mul3A_79 : i32 to vector<16xi32>
        %mul3A_81 = arith.muli %mul3A_80, %get3A_78 : vector<16xi32>
        %add3A_82 = arith.addi %get3A_75, %mul3A_81 : vector<16xi32>
        %max3A = arith.maximumf %get3A_66, %get3A_69 : vector<16xf32>
        %max3A_83 = arith.maximumf %max3A, %get3A_72 : vector<16xf32>
        %sub3A = arith.subf %get3A_66, %max3A_83 : vector<16xf32>
        %exp3A = math.exp %sub3A : vector<16xf32>
        %sub3A_84 = arith.subf %get3A_69, %max3A_83 : vector<16xf32>
        %exp3A_85 = math.exp %sub3A_84 : vector<16xf32>
        %add3A_86 = arith.addf %exp3A, %exp3A_85 : vector<16xf32>
        %sub3A_87 = arith.subf %get3A_72, %max3A_83 : vector<16xf32>
        %exp3A_88 = math.exp %sub3A_87 : vector<16xf32>
        %add3A_89 = arith.addf %add3A_86, %exp3A_88 : vector<16xf32>
        %eq3A = arith.constant 0 : i32
        %eq3A_90 = vector.broadcast %eq3A : i32 to vector<16xi32>
        %eq3A_91 = arith.cmpi eq, %add3A_82, %eq3A_90 : vector<16xi32>
        %eq3A_92 = arith.constant 1 : i32
        %eq3A_93 = vector.broadcast %eq3A_92 : i32 to vector<16xi32>
        %eq3A_94 = arith.cmpi eq, %add3A_82, %eq3A_93 : vector<16xi32>
        %eq3A_95 = arith.constant 2 : i32
        %eq3A_96 = vector.broadcast %eq3A_95 : i32 to vector<16xi32>
        %eq3A_97 = arith.cmpi eq, %add3A_82, %eq3A_96 : vector<16xi32>
        %select_n3A = arith.select %eq3A_94, %get3A_69, %get3A_72 : vector<16xi1>, vector<16xf32>
        %select_n3A_98 = arith.select %eq3A_91, %get3A_66, %select_n3A : vector<16xi1>, vector<16xf32>
        %sub3A_99 = arith.constant 1.000000e+00 : f32
        %sub3A_100 = vector.broadcast %sub3A_99 : f32 to vector<16xf32>
        %sub3A_101 = arith.subf %add3A_89, %sub3A_100 : vector<16xf32>
        %add3A_102 = arith.constant 1.000000e+00 : f32
        %add3A_103 = vector.broadcast %add3A_102 : f32 to vector<16xf32>
        %add3A_104 = arith.addf %add3A_89, %add3A_103 : vector<16xf32>
        %div3A = arith.divf %sub3A_101, %add3A_104 : vector<16xf32>
        %mul3A_105 = arith.mulf %div3A, %div3A : vector<16xf32>
        %mul3A_106 = arith.constant 0.0909090936 : f32
        %mul3A_107 = vector.broadcast %mul3A_106 : f32 to vector<16xf32>
        %mul3A_108 = arith.mulf %mul3A_105, %mul3A_107 : vector<16xf32>
        %add3A_109 = arith.constant 0.111111112 : f32
        %add3A_110 = vector.broadcast %add3A_109 : f32 to vector<16xf32>
        %add3A_111 = arith.addf %mul3A_108, %add3A_110 : vector<16xf32>
        %mul3A_112 = arith.mulf %add3A_111, %mul3A_105 : vector<16xf32>
        %add3A_113 = arith.constant 0.142857149 : f32
        %add3A_114 = vector.broadcast %add3A_113 : f32 to vector<16xf32>
        %add3A_115 = arith.addf %mul3A_112, %add3A_114 : vector<16xf32>
        %mul3A_116 = arith.mulf %add3A_115, %mul3A_105 : vector<16xf32>
        %add3A_117 = arith.constant 2.000000e-01 : f32
        %add3A_118 = vector.broadcast %add3A_117 : f32 to vector<16xf32>
        %add3A_119 = arith.addf %mul3A_116, %add3A_118 : vector<16xf32>
        %mul3A_120 = arith.mulf %add3A_119, %mul3A_105 : vector<16xf32>
        %add3A_121 = arith.constant 0.333333343 : f32
        %add3A_122 = vector.broadcast %add3A_121 : f32 to vector<16xf32>
        %add3A_123 = arith.addf %mul3A_120, %add3A_122 : vector<16xf32>
        %mul3A_124 = arith.mulf %add3A_123, %mul3A_105 : vector<16xf32>
        %add3A_125 = arith.constant 1.000000e+00 : f32
        %add3A_126 = vector.broadcast %add3A_125 : f32 to vector<16xf32>
        %add3A_127 = arith.addf %mul3A_124, %add3A_126 : vector<16xf32>
        %mul3A_128 = arith.constant 2.000000e+00 : f32
        %mul3A_129 = vector.broadcast %mul3A_128 : f32 to vector<16xf32>
        %mul3A_130 = arith.mulf %mul3A_129, %div3A : vector<16xf32>
        %mul3A_131 = arith.mulf %mul3A_130, %add3A_127 : vector<16xf32>
        %sub3A_132 = arith.subf %max3A_83, %select_n3A_98 : vector<16xf32>
        %add3A_133 = arith.addf %mul3A_131, %sub3A_132 : vector<16xf32>
        %broadcast_in_dim3A_134 = arith.constant 0.000000e+00 : f32
        %broadcast_in_dim3A_135 = vector.broadcast %broadcast_in_dim3A_134 : f32 to vector<16xf32>
        %broadcast_in_dim3A_136 = arith.constant 1.000000e+00 : f32
        %broadcast_in_dim3A_137 = vector.broadcast %broadcast_in_dim3A_136 : f32 to vector<16xf32>
        %select_n3A_138 = arith.select %eq3A_91, %add3A_133, %broadcast_in_dim3A_135 : vector<16xi1>, vector<16xf32>
        %add3A_139 = arith.addf %scan3A_57, %select_n3A_138 : vector<16xf32>
        %select_n3A_140 = arith.select %eq3A_94, %add3A_133, %broadcast_in_dim3A_135 : vector<16xi1>, vector<16xf32>
        %add3A_141 = arith.addf %scan3A_58, %select_n3A_140 : vector<16xf32>
        %select_n3A_142 = arith.select %eq3A_97, %add3A_133, %broadcast_in_dim3A_135 : vector<16xi1>, vector<16xf32>
        %add3A_143 = arith.addf %scan3A_59, %select_n3A_142 : vector<16xf32>
        %select_n3A_144 = arith.select %eq3A_91, %broadcast_in_dim3A_137, %broadcast_in_dim3A_135 : vector<16xi1>, vector<16xf32>
        %add3A_145 = arith.addf %scan3A_60, %select_n3A_144 : vector<16xf32>
        %select_n3A_146 = arith.select %eq3A_94, %broadcast_in_dim3A_137, %broadcast_in_dim3A_135 : vector<16xi1>, vector<16xf32>
        %add3A_147 = arith.addf %scan3A_61, %select_n3A_146 : vector<16xf32>
        %select_n3A_148 = arith.select %eq3A_97, %broadcast_in_dim3A_137, %broadcast_in_dim3A_135 : vector<16xi1>, vector<16xf32>
        %add3A_149 = arith.addf %scan3A_62, %select_n3A_148 : vector<16xf32>
        scf.yield %add3A_139, %add3A_141, %add3A_143, %add3A_145, %add3A_147, %add3A_149 : vector<16xf32>, vector<16xf32>, vector<16xf32>, vector<16xf32>, vector<16xf32>, vector<16xf32>
      }
      %scan3A_55 = arith.constant 512 : i32
      scf.yield %scan3A_54#0, %scan3A_54#1, %scan3A_54#2, %scan3A_54#3, %scan3A_54#4, %scan3A_54#5 : vector<16xf32>, vector<16xf32>, vector<16xf32>, vector<16xf32>, vector<16xf32>, vector<16xf32>
    }
    %scan3A_8 = arith.constant 16 : i32
    %swap3A = arith.constant 0 : index
    %swap3A_9 = tpu.vector_load %arg10[%swap3A] {strides = array<i32>} : memref<96xf32, #tpu.memory_space<vmem>>, vector<16xf32>,
    %swap3A_10 = vector.shape_cast %swap3A_9 : vector<16xf32> to vector<16xf32>
    %swap3A_11 = vector.shape_cast %scan3A_7#0 : vector<16xf32> to vector<16xf32>
    tpu.vector_store %arg10[%swap3A], %swap3A_11 {strides = array<i32>} : memref<96xf32, #tpu.memory_space<vmem>>, vector<16xf32>,
    %swap3A_12 = arith.constant 16 : index
    %swap3A_13 = tpu.vector_load %arg10[%swap3A_12] {strides = array<i32>} : memref<96xf32, #tpu.memory_space<vmem>>, vector<16xf32>,
    %swap3A_14 = vector.shape_cast %swap3A_13 : vector<16xf32> to vector<16xf32>
    %swap3A_15 = vector.shape_cast %scan3A_7#1 : vector<16xf32> to vector<16xf32>
    tpu.vector_store %arg10[%swap3A_12], %swap3A_15 {strides = array<i32>} : memref<96xf32, #tpu.memory_space<vmem>>, vector<16xf32>,
    %swap3A_16 = arith.constant 32 : index
    %swap3A_17 = tpu.vector_load %arg10[%swap3A_16] {strides = array<i32>} : memref<96xf32, #tpu.memory_space<vmem>>, vector<16xf32>,
    %swap3A_18 = vector.shape_cast %swap3A_17 : vector<16xf32> to vector<16xf32>
    %swap3A_19 = vector.shape_cast %scan3A_7#2 : vector<16xf32> to vector<16xf32>
    tpu.vector_store %arg10[%swap3A_16], %swap3A_19 {strides = array<i32>} : memref<96xf32, #tpu.memory_space<vmem>>, vector<16xf32>,
    %swap3A_20 = arith.constant 48 : index
    %swap3A_21 = tpu.vector_load %arg10[%swap3A_20] {strides = array<i32>} : memref<96xf32, #tpu.memory_space<vmem>>, vector<16xf32>,
    %swap3A_22 = vector.shape_cast %swap3A_21 : vector<16xf32> to vector<16xf32>
    %swap3A_23 = vector.shape_cast %scan3A_7#3 : vector<16xf32> to vector<16xf32>
    tpu.vector_store %arg10[%swap3A_20], %swap3A_23 {strides = array<i32>} : memref<96xf32, #tpu.memory_space<vmem>>, vector<16xf32>,
    %swap3A_24 = arith.constant 64 : index
    %swap3A_25 = tpu.vector_load %arg10[%swap3A_24] {strides = array<i32>} : memref<96xf32, #tpu.memory_space<vmem>>, vector<16xf32>,
    %swap3A_26 = vector.shape_cast %swap3A_25 : vector<16xf32> to vector<16xf32>
    %swap3A_27 = vector.shape_cast %scan3A_7#4 : vector<16xf32> to vector<16xf32>
    tpu.vector_store %arg10[%swap3A_24], %swap3A_27 {strides = array<i32>} : memref<96xf32, #tpu.memory_space<vmem>>, vector<16xf32>,
    %swap3A_28 = arith.constant 80 : index
    %swap3A_29 = tpu.vector_load %arg10[%swap3A_28] {strides = array<i32>} : memref<96xf32, #tpu.memory_space<vmem>>, vector<16xf32>,
    %swap3A_30 = vector.shape_cast %swap3A_29 : vector<16xf32> to vector<16xf32>
    %swap3A_31 = vector.shape_cast %scan3A_7#5 : vector<16xf32> to vector<16xf32>
    tpu.vector_store %arg10[%swap3A_28], %swap3A_31 {strides = array<i32>} : memref<96xf32, #tpu.memory_space<vmem>>, vector<16xf32>,
    "tpu.region"() ({
      %run_scoped3A = tpu.sem_alloc : memref<!tpu.dma_semaphore, #tpu.memory_space<semaphore_mem>>
      %dma_start3A = arith.constant 0 : i32
      %dma_start3A_32 = tpu.memref_slice %arg4[%add3A, %dma_start3A] : memref<32x96xf32, #tpu.memory_space<hbm>> -> memref<1x96xf32, #tpu.memory_space<hbm>>
      %dma_start3A_33 = tpu.memref_squeeze %dma_start3A_32 : memref<1x96xf32, #tpu.memory_space<hbm>> -> memref<96xf32, #tpu.memory_space<hbm>>
      %dma_start3A_34 = arith.constant 0 : i32
      %dma_start3A_35 = tpu.memref_slice %arg4[%add3A, %dma_start3A_34] : memref<32x96xf32, #tpu.memory_space<hbm>> -> memref<1x96xf32, #tpu.memory_space<hbm>>
      %dma_start3A_36 = tpu.memref_squeeze %dma_start3A_35 : memref<1x96xf32, #tpu.memory_space<hbm>> -> memref<96xf32, #tpu.memory_space<hbm>>
      tpu.enqueue_dma source(%arg10 : memref<96xf32, #tpu.memory_space<vmem>>) target(%dma_start3A_36 : memref<96xf32, #tpu.memory_space<hbm>>) target_semaphore(%run_scoped3A : memref<!tpu.dma_semaphore, #tpu.memory_space<semaphore_mem>>)
      %dma_wait3A = arith.constant 0 : i32
      %dma_wait3A_37 = tpu.memref_slice %arg4[%add3A, %dma_wait3A] : memref<32x96xf32, #tpu.memory_space<hbm>> -> memref<1x96xf32, #tpu.memory_space<hbm>>
      %dma_wait3A_38 = tpu.memref_squeeze %dma_wait3A_37 : memref<1x96xf32, #tpu.memory_space<hbm>> -> memref<96xf32, #tpu.memory_space<hbm>>
      %dma_wait3A_39 = arith.constant 0 : i32
      %dma_wait3A_40 = tpu.memref_slice %arg4[%add3A, %dma_wait3A_39] : memref<32x96xf32, #tpu.memory_space<hbm>> -> memref<1x96xf32, #tpu.memory_space<hbm>>
      %dma_wait3A_41 = tpu.memref_squeeze %dma_wait3A_40 : memref<1x96xf32, #tpu.memory_space<hbm>> -> memref<96xf32, #tpu.memory_space<hbm>>
      tpu.wait_dma2 semaphore(%run_scoped3A : memref<!tpu.dma_semaphore, #tpu.memory_space<semaphore_mem>>) src(%arg10 : memref<96xf32, #tpu.memory_space<vmem>>) dst(%dma_wait3A_41 : memref<96xf32, #tpu.memory_space<hbm>>)
      tpu.yield
    }) : () -> ()
    return
  }
}

</mosaic_0001>

<sc_bundles>
// kernel: kernel.3.cloned.1.call-start
scs
__scs_entry_jumppad:
0x0: {  	(pc) =	sbr.rel $0x88, $3  }
0x1: {  	(tag) =	ssettag $0x0;
	lr =	simm.s32 $0x1  }
0x2: {  	[smem:$0x3F9F] =	sst lr;
	_ =	strace $0xD0000000  }
0x3: {  	_ = 	snop  }
0x4: {  	_ = 	snop  }
0x5: {  	_ = 	snop  }
0x6: {  	_ = 	snop  }
0x7: {  	_ = 	snop  }
__scs_overlays_trampoline_lowered:
0x8: {  	[smem:$0x3FAE] =	sst s0  }
0x9: {  	[smem:$0x3FAF] =	sst s1  }
0xa: {  	[smem:$0x3FB0] =	sst s2  }
0xb: {  	[smem:$0x3FB1] =	sst s3  }
0xc: {  	[smem:$0x3FB2] =	sst s4  }
0xd: {  	[smem:$0x3FB3] =	sst s5  }
0xe: {  	[smem:$0x3FB4] =	sst s6  }
0xf: {  	[smem:$0x3FB5] =	sst s7  }
0x10: {  	[smem:$0x3FB6] =	sst s8  }
0x11: {  	[smem:$0x3FB7] =	sst s9;
	s0 =	simm.s32 @!p0 $0x0  }
0x12: {  	s1 =	sld [smem:$0x3F9D];
	s0 =	simm.s32 @p0 $0x1  }
0x13: {  	[smem:$0x3FB8] =	sst s0;
	s0 =	simm.s32 @!p1 $0x0  }
0x14: {  	s2 =	sld [smem:$0x3F9C];
	s0 =	simm.s32 @p1 $0x1  }
0x15: {  	[smem:$0x3FB9] =	sst s0;
	s0 =	simm.s32 @!p2 $0x0  }
0x16: {  	s3 =	sld [smem:$0x3FDB];
	s0 =	simm.s32 @p2 $0x1  }
0x17: {  	s4 =	simm.s32 $0x1BF5;
	[smem:$0x3FBB] =	sst s0  }
0x18: {  	s0 =	sld [smem:$0x3F9E];
	_ =	swait.ge [sflag:s4], $0x0  }
0x19: {  	s7 =	sld [smem:$0x3F9F]  }
0x1a: {  	s8 =	sadd.s32 $0xFFFFE003, lr  }
0x1b: {  	s9 =	sadd.s32 $0xFFFFFEF7, lr;
	s5 =	simm.s32 $0xFFFFFFFF;
	p2 =	slt.u32 s8, $0xFFFFF086  }
0x1c: {  	p1 =	slt.u32 s9, $0xF7A;
	s5 =	simm.s32 @!p2 $0x0  }
0x1d: {  	s5 =	simm.s32 @p1 $0x1;
	p0 =	seq.s32 s7, s2  }
0x1e: {  	s7 =	smul.u32 @!p0 $0xF7A, s2;
	p2 =	seq.s32 @!p0 s5, $0x0  }
0x1f: {  	s9 =	smul.u32 $0xF7A, s1;
	s8 =	simm.s32 @!p0 $0x1BF5;
	p2 =	por !p2, p0  }
0x20: {  	[sflag:s8] =	ssyncset.s32 @!p0 $0xFFFFF086;
	s6 =	sadd.s32 @!p0 s3, s7;
	s7 =	simm.s32 @!p0 $0x108  }
0x21: {  	s3 =	sadd.s32 s3, s9;
	s6 =	sadd.s32 @!p0 $0x88, s6;
	s7 =	simm.s32 @p2 $0x1082  }
0x22: {  	[simem:s7], [sflag:s8] =	dma.local @!p0 [hbm:s6], $0xF7A  }
0x23: {  	s9 =	sor.u32 $0xD0000000, s2;
	s6 =	simm.s32 $0x108;
	_ =	swait.ge @!p0 [sflag:s8], $0x0  }
0x24: {  	s3 =	sadd.s32 $0x88, s3;
	s6 =	simm.s32 @!p1 $0x1082;
	[sflag:s4] =	ssyncset.s32 $0xFFFFF086  }
0x25: {  	[simem:s6], [sflag:s4] =	dma.local [hbm:s3], $0xF7A  }
0x26: {  	[smem:$0x3F9F] =	sst s1;
	(tag) =	ssettag s2;
	_ =	strace s9  }
0x27: {  	s1 =	sld [smem:$0x3FAF]  }
0x28: {  	s2 =	sld [smem:$0x3FB0]  }
0x29: {  	s4 =	sld [smem:$0x3FB2]  }
0x2a: {  	p0 =	seq.s32 s5, $0x0;
	s5 =	sld [smem:$0x3FB3]  }
0x2b: {  	s6 =	sld [smem:$0x3FB4]  }
0x2c: {  	s7 =	sld [smem:$0x3FB5]  }
0x2d: {  	s3 =	simm.s32 $0x108;
	s8 =	sld [smem:$0x3FB6]  }
0x2e: {  	s3 =	simm.s32 @!p0 $0x1082;
	s9 =	sld [smem:$0x3FB7]  }
0x2f: {  	lr =	sadd.s32 s0, s3;
	s0 =	sld [smem:$0x3FAE]  }
0x30: {  	s3 =	sld [smem:$0x3FB1]  }
0x31: {  	[smem:$0x3FBA] =	sst s10  }
0x32: {  	s10 =	sld [smem:$0x3FB8];
	_ =	sdelay $0x3  }
0x33: {  	p0 =	seq.s32 s10, $0x1;
	s10 =	sld [smem:$0x3FBA];
	_ =	sdelay $0x3  }
0x34: {  	[smem:$0x3FBA] =	sst s10  }
0x35: {  	s10 =	sld [smem:$0x3FB9];
	_ =	sdelay $0x3  }
0x36: {  	p1 =	seq.s32 s10, $0x1;
	s10 =	sld [smem:$0x3FBA];
	_ =	sdelay $0x3  }
0x37: {  	[smem:$0x3FBA] =	sst s10  }
0x38: {  	s10 =	sld [smem:$0x3FBB]  }
0x39: {  	_ = 	snop;
	(pc) =	sbr.ind lr, $3  }
0x3a: {  	_ = 	snop  }
0x3b: {  	_ = 	snop  }
0x3c: {  	p2 =	seq.s32 s10, $0x1;
	s10 =	sld [smem:$0x3FBA]  }
0x3d: {  	_ =	shalt  }
0x3e: {  	_ =	shalt  }
0x3f: {  	_ =	shalt  }
0x40: {  	_ =	shalt  }
0x41: {  	_ =	shalt  }
0x42: {  	_ =	shalt  }
0x43: {  	_ =	shalt  }
0x44: {  	_ =	shalt  }
0x45: {  	_ =	shalt  }
0x46: {  	_ =	shalt  }
0x47: {  	_ =	shalt  }
0x48: {  	_ =	shalt  }
0x49: {  	_ =	shalt  }
0x4a: {  	_ =	shalt  }
0x4b: {  	_ =	shalt  }
0x4c: {  	_ =	shalt  }
0x4d: {  	_ =	shalt  }
0x4e: {  	_ =	shalt  }
0x4f: {  	_ =	shalt  }
0x50: {  	_ =	shalt  }
0x51: {  	_ =	shalt  }
0x52: {  	_ =	shalt  }
0x53: {  	_ =	shalt  }
0x54: {  	_ =	shalt  }
0x55: {  	_ =	shalt  }
0x56: {  	_ =	shalt  }
0x57: {  	_ =	shalt  }
0x58: {  	_ =	shalt  }
0x59: {  	_ =	shalt  }
0x5a: {  	_ =	shalt  }
0x5b: {  	_ =	shalt  }
0x5c: {  	_ =	shalt  }
0x5d: {  	_ =	shalt  }
0x5e: {  	_ =	shalt  }
0x5f: {  	_ =	shalt  }
0x60: {  	_ =	shalt  }
0x61: {  	_ =	shalt  }
0x62: {  	_ =	shalt  }
0x63: {  	_ =	shalt  }
0x64: {  	_ =	shalt  }
0x65: {  	_ =	shalt  }
0x66: {  	_ =	shalt  }
0x67: {  	_ =	shalt  }
0x68: {  	_ =	shalt  }
0x69: {  	_ =	shalt  }
0x6a: {  	_ =	shalt  }
0x6b: {  	_ =	shalt  }
0x6c: {  	_ =	shalt  }
0x6d: {  	_ =	shalt  }
0x6e: {  	_ =	shalt  }
0x6f: {  	_ =	shalt  }
0x70: {  	_ =	shalt  }
0x71: {  	_ =	shalt  }
0x72: {  	_ =	shalt  }
0x73: {  	_ =	shalt  }
0x74: {  	_ =	shalt  }
0x75: {  	_ =	shalt  }
0x76: {  	_ =	shalt  }
0x77: {  	_ =	shalt  }
0x78: {  	_ =	shalt  }
0x79: {  	_ =	shalt  }
0x7a: {  	_ =	shalt  }
0x7b: {  	_ =	shalt  }
0x7c: {  	_ =	shalt  }
0x7d: {  	_ =	shalt  }
0x7e: {  	_ =	shalt  }
0x7f: {  	_ =	shalt  }
0x80: {  	_ =	shalt  }
0x81: {  	_ =	shalt  }
0x82: {  	_ =	shalt  }
0x83: {  	_ =	shalt  }
0x84: {  	_ =	shalt  }
0x85: {  	_ =	shalt  }
0x86: {  	_ =	shalt  }
0x87: {  	_ =	shalt  }
.Lfunc_end0:
.L_simem_size_0:
called_computation.2_lowered:
.L_overlay_start_0:
0x88: {  	s2 =	sld [smem:$0x3FD9]  }
0x89: {  	s3 =	sld [smem:$0x3FFE];
	_ =	sdelay $0x1  }
0x8a: {  	s1 =	srdreg.scid  }
0x8b: {  	s0 =	sand.u32 $0x1, s1  }
0x8c: {  	s16 =	sshll.u32 s0, $0xA;
	s2 =	sadd.s32 s3, s2  }
0x8d: {  	s2 =	sadd.s32 s2, s16  }
0x8e: {  	[smem:$0x3FC6] =	sst s2  }
0x8f: {  	_ = 	snop  }
0x90: {  	(tm) =	ssettm $0x1  }
0x91: {  	s17 =	sld [smem:$0x3FFB];
	_ =	sdelay $0x3  }
0x92: {  	_ =	strace s17  }
0x93: {  	s2 =	sld [smem:$0x3FFC];
	_ =	sdelay $0x3  }
0x94: {  	_ =	strace s2  }
0x95: {  	s2 =	sld [smem:$0x3FFD];
	_ =	sdelay $0x3  }
0x96: {  	_ =	strace s2  }
0x97: {  	_ =	strace $0x8FFFFFFF  }
0x98: {  	s18 =	sld [smem:$0x3FDB];
	_ =	sdelay $0x1  }
0x99: {  	s19 =	simm.s32 $_scs_section_size  }
0x9a: {  	s4 =	simm.s32 $_size__tile_overlayer_lowered;
	s5 =	simm.s32 $_tile_overlayer_lowered  }
0x9b: {  	s22 =	simm.s32 $0x1BFF;
	s21 =	sshll.u32 s5, $0x1;
	s2 =	sadd.s32 s19, s18  }
0x9c: {  	s6 =	simm.s32 $0x0;
	s20 =	sshll.u32 s4, $0x1;
	s4 =	sadd.s32 s21, s2  }
0x9d: {  	[timem:s6], [sflag:s22] =	dma.local [hbm:s4], s20  }
0x9e: {  	_ =	swait.ge [sflag:s22], s20  }
0x9f: {  	s3 =	ssub.s32 $0x0, s20;
	[sflag:s22] =	ssyncset.done $0x0  }
0xa0: {  	[sflag:s22] =	ssyncadd.s32 s3;
	_ =	sdelay $0x1  }
0xa1: {  	s23 =	simm.s32 $0x1B8B  }
0xa2: {  	_ =	swait.ge [sflag:s23], $0x1  }
0xa3: {  	[sflag:s23] =	ssyncset.done $0x0  }
0xa4: {  	s25 =	simm.s32 $0x1B8E;
	s24 =	sld [smem:$0x3FFE];
	[sflag:s23] =	ssyncadd.s32 $0xFFFFFFFF  }
0xa5: {  	s26 =	simm.s32 $execute0_lowered;
	[smem:$0x3FD2] =	sst s25  }
0xa6: {  	s4 =	sshll.u32 s26, $0x1;
	_ =	strace $0x8000004C;
	[dreg:$0x1] =	wrdreg $0xFFFFFFFF  }
0xa7: {  	s28 =	simm.s32 $_size_execute0_lowered;
	s2 =	sadd.s32 s2, s4;
	[dreg:$0x0] =	wrdreg $0x0  }
0xa8: {  	s4 =	sshll.u32 s28, $0x1;
	[dreg:$0x2] =	wrdreg s2  }
0xa9: {  	[dreg:$0x3] =	wrdreg s4  }
0xaa: {  	[dreg:$0x4] =	wrdreg $0xC0  }
0xab: {  	_ =	task [dreg:s6], $0x5FFFF  }
0xac: {  	[dreg:$0x1] =	wrdreg $0xFFFFFFFF  }
0xad: {  	[dreg:$0x0] =	wrdreg $0x60  }
0xae: {  	[dreg:$0x2] =	wrdreg s24  }
0xaf: {  	[dreg:$0x3] =	wrdreg $0x9  }
0xb0: {  	_ =	task.clear_ibuf [dreg:s6], $0x4FFFF;
	_ =	strace $0x9000004C  }
0xb1: {  	s29 =	simm.s32 $0x9;
	_ =	strace $0x8000004E  }
0xb2: {  	_ =	swait.ge [sflag:s29], $0x1  }
0xb3: {  	[sflag:s29] =	ssyncadd.s32 $0xFFFFFFFF  }
0xb4: {  	_ =	strace $0x9000004E  }
0xb5: {  	_ =	sfence  }
0xb6: {  	s30 =	sld [smem:$0x0];
	_ =	sdelay $0x2  }
0xb7: {  	s31 =	sshll.u32 s1, $0xD;
	s1 =	sshrl.u32 s1, $0x2  }
0xb8: {  	s3 =	sand.u32 $0x4000, s31;
	s1 =	sadd.s32 s1, s30  }
0xb9: {  	s0 =	sor.u32 s3, s0;
	s1 =	sshll.u32 s1, $0x11  }
0xba: {  	s0 =	sor.u32 s1, s0  }
0xbb: {  	s0 =	sadd.s32 $0x8F2B, s0  }
0xbc: {  	[sflag:s0] =	ssyncadd.remote.s32 $0x1  }
0xbd: {  	_ =	sfence.sel $0xFFFF  }
0xbe: {  	[dreg:$0x0] =	wrdreg $0xFFFFFFFF;
	(pc) =	sbr.abs _section_cstart, $3  }
0xbf: {  	[dreg:$0x1] =	wrdreg $0xFFFFFFFF  }
0xc0: {  	_ =	task.clear_ibuf [dreg:s6], $0x2FFFF;
	_ =	strace $0x9FFFFFFF  }
0xc1: {  	(tm) =	ssettm $0x7FFFFFFF  }
tec
execute0_lowered:
.L_overlay_start_1:
0x0: {  	(tag) =	ssettag $0x1  }
0x1: {  	s2 =	rddreg [dreg:$0x0]  }
0x2: {  	s0 =	rddreg [dreg:$0x1]  }
0x3: {  	s3 =	simm.s32 $0x0;
	s4 =	srdreg.scid;
	s1 =	stileid.u32  }
0x4: {  	s9 =	simm.s32 $0x2000;
	s10 =	simm.s32 $0x4000;
	s11 =	simm.s32 $0x6000  }
0x5: {  	s12 =	simm.s32 $0x8000;
	s13 =	simm.s32 $0xA000;
	s14 =	simm.s32 $0x0  }
0x6: {  	[smem:$0x7FF] =	sst s3;
	s4 =	sand.u32 $0x1, s4;
	s5 =	sshll.u32 s1, $0x1  }
0x7: {  	_ =	strace $0x8000004D;
	s5 =	sor.u32 s4, s5;
	s6 =	ssub.s32 $0x2, s4  }
0x8: {  	s4 =	sadd.s32 $0x180000, s2;
	s7 =	sshll.u32 s5, $0x4;
	s8 =	sshrl.u32 s6, $0x1  }
0x9: {  	s5 =	sshll.u32 s5, $0xE;
	s7 =	sadd.s32 s7, s2;
	s8 =	ssub.s32 s6, s8  }
0xa: {  	v0 =	vimm.f32 $0.0e+00;
	s6 =	sadd.s32 $0x300000, s7;
	s7 =	smax.u32 s8, $0x1;
	s8 =	simm.s32 $0x1  }
.LBB2_1:
0xb: {  	v1 =	vimm.f32 $0.0e+00;
	v2 =	vimm.f32 $0.0e+00;
	v3 =	vimm.f32 $0.0e+00  }
0xc: {  	v5 =	vimm.f32 $0.0e+00;
	v4 =	vimm.f32 $0.0e+00;
	v6 =	vimm.f32 $0.0e+00;
	s15 =	simm.s32 $0x0  }
.LBB2_2:
0xd: {  	s16 =	sshll.u32 s15, $0xA  }
0xe: {  	s16 =	sadd.s32 s5, s16  }
0xf: {  	s18 =	simm.s32 $0x0;
	s17 =	sadd.s32 s2, s16  }
0x10: {  	[tilespmem:s18], [sflag:$0x1] =	stream.linear.gather [hbm4b:s17+s18], $0x2000, $0x38;
	[tilespmem:$0xA080] =	vst v63  }
0x11: {  	_ =	swait.ge [sflag:s8], $0x2000  }
0x12: {  	s29 =	sor.u32 $0x80000, s16;
	[sflag:s8] =	ssyncset.done $0x0  }
0x13: {  	s19 =	sadd.s32 s2, s29;
	[sflag:s8] =	ssyncadd.s32 $0xFFFFE000  }
0x14: {  	[tilespmem:s9], [sflag:$0x1] =	stream.linear.gather [hbm4b:s19+s18], $0x2000, $0x38;
	[tilespmem:$0xA080] =	vst v63  }
0x15: {  	_ =	swait.ge [sflag:s8], $0x2000  }
0x16: {  	s16 =	sor.u32 $0x100000, s16;
	[sflag:s8] =	ssyncset.done $0x0  }
0x17: {  	s30 =	sadd.s32 s2, s16;
	[sflag:s8] =	ssyncadd.s32 $0xFFFFE000  }
0x18: {  	[tilespmem:s10], [sflag:$0x1] =	stream.linear.gather [hbm4b:s30+s18], $0x2000, $0x38;
	[tilespmem:$0xA080] =	vst v63  }
0x19: {  	_ =	swait.ge [sflag:s8], $0x2000  }
0x1a: {  	[sflag:s8] =	ssyncset.done $0x0  }
0x1b: {  	s17 =	sadd.s32 s4, s29;
	[sflag:s8] =	ssyncadd.s32 $0xFFFFE000  }
0x1c: {  	[tilespmem:s11], [sflag:$0x1] =	stream.linear.gather [hbm4b:s17+s18], $0x2000, $0x38;
	[tilespmem:$0xA080] =	vst v63  }
0x1d: {  	_ =	swait.ge [sflag:s8], $0x2000  }
0x1e: {  	[sflag:s8] =	ssyncset.done $0x0  }
0x1f: {  	s16 =	sadd.s32 s4, s16;
	[sflag:s8] =	ssyncadd.s32 $0xFFFFE000  }
0x20: {  	[tilespmem:s12], [sflag:$0x1] =	stream.linear.gather [hbm4b:s16+s18], $0x2000, $0x38;
	[tilespmem:$0xA080] =	vst v63  }
0x21: {  	_ =	swait.ge [sflag:s8], $0x2000  }
0x22: {  	[sflag:s8] =	ssyncset.done $0x0  }
0x23: {  	s31 =	simm.s32 $0x0;
	[sflag:s8] =	ssyncadd.s32 $0xFFFFE000  }
0x24: {  	v17 =	vld [tilespmem:s31+$0x0]  }
0x25: {  	v20 =	vld [tilespmem:s31+$0x2000]  }
0x26: {  	v21 =	vld [tilespmem:s31+$0x4000];
	_ =	sdelay $0x3  }
0x27: {  	v7 =	vmax.f32 v17, v20  }
0x28: {  	v19 =	vmax.f32 v7, v21  }
0x29: {  	v7 =	vsub.f32 v17, v19  }
0x2a: {  	v8 =	vsub.f32 v20, v19  }
0x2b: {  	v7 =	vmul.f32 $1.442695020e+00, v7  }
0x2c: {  	v9 =	vsub.f32 v21, v19;
	v8 =	vmul.f32 $1.442695020e+00, v8  }
0x2d: {  	(erf) = vpow2.f32 v7  }
0x2e: {  	v7 =	vmul.f32 $1.442695020e+00, v9;
	(erf) = vpow2.f32 v8  }
0x2f: {  	s18 =	simm.s32 $0x10  }
0x30: {  	v12 =	vld [tilespmem:s18+$0x0];
	(erf) = vpow2.f32 v7  }
0x31: {  	v13 =	vld [tilespmem:s18+$0x2000];
	_ =	sdelay $0x1  }
0x32: {  	v14 =	vld [tilespmem:s18+$0x4000];
	_ =	sdelay $0x2  }
0x33: {  	v8 =	vmax.f32 v12, v13;
	v7 =	vpop (erf)  }
0x34: {  	v9 =	vpop (erf)  }
0x35: {  	v11 =	vmax.f32 v8, v14;
	v7 =	vadd.f32 v9, v7  }
0x36: {  	v8 =	vpop (erf);
	v9 =	vsub.f32 v12, v11  }
0x37: {  	v10 =	vadd.f32 v7, v8  }
0x38: {  	v7 =	vmul.f32 $1.442695020e+00, v9  }
0x39: {  	v8 =	vadd.f32 $1.000000000e+00, v10  }
0x3a: {  	(erf) = vpow2.f32 v7  }
0x3b: {  	(erf) = vrcp.f32 v8;
	_ =	sdelay $0x1  }
0x3c: {  	v7 =	vsub.f32 v13, v11  }
0x3d: {  	s16 =	simm.s32 $0x20;
	v15 =	vsub.f32 v14, v11  }
0x3e: {  	v9 =	vld [tilespmem:s16+$0x0];
	v7 =	vmul.f32 $1.442695020e+00, v7  }
0x3f: {  	v15 =	vmul.f32 $1.442695020e+00, v15;
	v8 =	vld [tilespmem:s16+$0x2000]  }
0x40: {  	(erf) = vpow2.f32 v7;
	v7 =	vld [tilespmem:s16+$0x4000];
	_ =	sdelay $0x1  }
0x41: {  	v10 =	vadd.f32 $-1.000000000e+00, v10;
	v16 =	vpop (erf)  }
0x42: {  	(erf) = vpow2.f32 v15;
	v15 =	vpop (erf)  }
0x43: {  	v22 =	vmul.f32 v15, v10;
	v10 =	vmax.f32 v9, v8  }
0x44: {  	v10 =	vmax.f32 v10, v7  }
0x45: {  	v15 =	vsub.f32 v9, v10  }
0x46: {  	v23 =	vmul.f32 v22, v22  }
0x47: {  	v15 =	vmul.f32 $1.442695020e+00, v15  }
0x48: {  	v18 =	vmul.f32 $9.090909360e-02, v23  }
0x49: {  	v24 =	vpop (erf)  }
0x4a: {  	v16 =	vadd.f32 v24, v16;
	v18 =	vadd.f32 $1.111111120e-01, v18  }
0x4b: {  	(erf) = vpow2.f32 v15;
	v15 =	vpop (erf)  }
0x4c: {  	v18 =	vmul.f32 v18, v23;
	v24 =	vadd.f32 v16, v15  }
0x4d: {  	v15 =	vsub.f32 v8, v10  }
0x4e: {  	v16 =	vadd.f32 $1.428571490e-01, v18;
	v18 =	vadd.f32 $1.000000000e+00, v24  }
0x4f: {  	v25 =	vsub.f32 v7, v10;
	v15 =	vmul.f32 $1.442695020e+00, v15  }
0x50: {  	(erf) = vrcp.f32 v18  }
0x51: {  	v26 =	vld [tilespmem:s31+$0x8000];
	v18 =	vmul.f32 $1.442695020e+00, v25;
	(erf) = vpow2.f32 v15  }
0x52: {  	s17 =	simm.s32 $0x30;
	v25 =	vld [tilespmem:s31+$0x6000]  }
0x53: {  	v16 =	vmul.f32 v16, v23;
	v15 =	vld [tilespmem:s17+$0x0];
	(erf) = vpow2.f32 v18  }
0x54: {  	v18 =	vld [tilespmem:s17+$0x2000]  }
0x55: {  	v30 =	vadd.f32 $2.000000030e-01, v16;
	v16 =	vld [tilespmem:s17+$0x4000];
	_ =	sdelay $0x2  }
0x56: {  	s19 =	simm.s32 $0x100;
	v27 =	vshll.u32 v26, $0x1;
	v28 =	vadd.f32 $-1.000000000e+00, v24;
	v29 =	vpop (erf);
	v26 =	vmul.f32 v30, v23  }
.LBB2_3:
0x57: {  	p0 =	sne.s32 s19, $0x7FC0;
	v24 =	vmax.f32 v15, v18;
	v30 =	vpop (erf);
	v27 =	vadd.s32 v25, v27  }
0x58: {  	v24 =	vmax.f32 v24, v16;
	v25 =	vpop (erf);
	v28 =	vmul.f32 v30, v28;
	v26 =	vadd.f32 $3.333333430e-01, v26  }
0x59: {  	vm0 =	veq.s32 v27, $0x0;
	vm1 =	veq.s32 v27, $0x1;
	v25 =	vadd.f32 v25, v29  }
0x5a: {  	v20 =	vsel vm1, v20, v21;
	v29 =	vpop (erf);
	v21 =	vmul.f32 v26, v23;
	v23 =	vmul.f32 v28, v28  }
0x5b: {  	v26 =	vsub.f32 v15, v24;
	v20 =	vsel vm0, v17, v20;
	v17 =	vmovc v12;
	v30 =	vadd.f32 v25, v29  }
0x5c: {  	v12 =	vmovc v9;
	v29 =	vadd.f32 v22, v22;
	v22 =	vmovc v28;
	v25 =	vmul.f32 $9.090909360e-02, v23;
	v21 =	vadd.f32 $1.000000000e+00, v21  }
0x5d: {  	v28 =	vsub.f32 v18, v24;
	v31 =	vsub.f32 v19, v20;
	v19 =	vmovc v11;
	v11 =	vmovc v10;
	v26 =	vmul.f32 $1.442695020e+00, v26  }
0x5e: {  	v9 =	vmovc v15;
	v10 =	vmovc v24;
	v32 =	vadd.f32 $1.000000000e+00, v30;
	v25 =	vadd.f32 $1.111111120e-01, v25;
	v29 =	vmul.f32 v21, v29  }
0x5f: {  	v24 =	vsub.f32 v16, v10;
	v15 =	vmul.f32 $1.442695020e+00, v28;
	v20 =	vmovc v13;
	v13 =	vmovc v8;
	(erf) = vpow2.f32 v26  }
0x60: {  	v8 =	vmovc v18;
	(erf) = vrcp.f32 v32;
	v26 =	vmul.f32 v25, v23;
	v28 =	vadd.f32 v29, v31;
	v21 =	vmovc v14  }
0x61: {  	vm2 =	veq.s32 v27, $0x2;
	v18 =	vmul.f32 $1.442695020e+00, v24;
	v14 =	vmovc v7;
	v7 =	vmovc v16;
	(erf) = vpow2.f32 v15;
	v25 =	vld [tilespmem:s18+$0x6000]  }
0x62: {  	v24 =	vld [tilespmem:s18+$0x8000];
	v16 =	vadd.f32 $1.428571490e-01, v26;
	v26 =	vnsel vm0, $0x0, v28;
	v27 =	vnsel vm2, $0x0, v28;
	s18 =	smov.u32 s16;
	s16 =	smov.u32 s17;
	s17 =	sshra.s32 s19, $0x2  }
0x63: {  	v28 =	vnsel vm1, $0x0, v28;
	v15 =	vld [tilespmem:s17+$0x0];
	(erf) = vpow2.f32 v18;
	v5 =	vadd.f32 v27, v5  }
.Ltmp0:
0x64: {  	v29 =	vsel vm0, $0x3F800000, v0;
	v31 =	vsel vm1, $0x3F800000, v0;
	v18 =	vld [tilespmem:s17+$0x2000];
	v27 =	vmul.f32 v16, v23;
	(pc) =	sbr.rel @p0 .LBB2_3-.Ltmp0, $4  }
0x65: {  	v6 =	vadd.f32 v26, v6;
	v4 =	vadd.f32 v28, v4;
	v26 =	vsel vm2, $0x3F800000, v0;
	v16 =	vld [tilespmem:s17+$0x4000]  }
0x66: {  	v3 =	vadd.f32 v29, v3;
	v32 =	vadd.f32 $2.000000030e-01, v27  }
0x67: {  	v2 =	vadd.f32 v31, v2;
	v1 =	vadd.f32 v26, v1  }
0x68: {  	s19 =	sadd.s32 $0x40, s19;
	v28 =	vadd.f32 $-1.000000000e+00, v30;
	v27 =	vshll.u32 v24, $0x1;
	v29 =	vpop (erf);
	v26 =	vmul.f32 v32, v23  }
0x69: {  	v30 =	vpop (erf)  }
0x6a: {  	v24 =	vmax.f32 v15, v18;
	v31 =	vpop (erf)  }
0x6b: {  	v24 =	vmax.f32 v24, v16;
	v29 =	vadd.f32 v31, v29  }
0x6c: {  	v32 =	vsub.f32 v15, v24;
	v42 =	vpop (erf)  }
0x6d: {  	v29 =	vadd.f32 v29, v42  }
0x6e: {  	v44 =	vsub.f32 v18, v24;
	v43 =	vmul.f32 $1.442695020e+00, v32  }
0x6f: {  	v33 =	vadd.f32 $1.000000000e+00, v29  }
0x70: {  	v45 =	vsub.f32 v16, v24;
	v32 =	vmul.f32 $1.442695020e+00, v44;
	(erf) = vpow2.f32 v43  }
0x71: {  	(erf) = vrcp.f32 v33  }
0x72: {  	v31 =	vmul.f32 $1.442695020e+00, v45;
	(erf) = vpow2.f32 v32;
	_ =	sdelay $0x1  }
0x73: {  	(erf) = vpow2.f32 v31;
	_ =	sdelay $0x4  }
0x74: {  	v46 =	vpop (erf)  }
0x75: {  	v47 =	vpop (erf)  }
0x76: {  	v48 =	vpop (erf)  }
0x77: {  	v28 =	vmul.f32 v30, v28;
	v30 =	vadd.f32 v48, v46  }
0x78: {  	v50 =	vpop (erf)  }
0x79: {  	v30 =	vadd.f32 v30, v50  }
0x7a: {  	v25 =	vadd.s32 v25, v27;
	v22 =	vadd.f32 v22, v22;
	v26 =	vadd.f32 $3.333333430e-01, v26  }
0x7b: {  	vm1 =	veq.s32 v25, $0x1;
	v49 =	vmul.f32 v28, v28;
	v52 =	vadd.f32 $1.000000000e+00, v30  }
0x7c: {  	vm2 =	veq.s32 v25, $0x0;
	vm0 =	veq.s32 v25, $0x2;
	v23 =	vmul.f32 v26, v23  }
0x7d: {  	v20 =	vsel vm1, v20, v21;
	v51 =	vmul.f32 $9.090909360e-02, v49;
	(erf) = vrcp.f32 v52  }
0x7e: {  	v60 =	vld [tilespmem:s18+$0x8000];
	v34 =	vsel vm2, $0x3F800000, v0;
	v36 =	vsel vm1, $0x3F800000, v0;
	v56 =	vadd.f32 $-1.000000000e+00, v29  }
0x7f: {  	v62 =	vld [tilespmem:s18+$0x6000];
	v17 =	vsel vm2, v17, v20;
	v54 =	vadd.f32 $1.000000000e+00, v23;
	v53 =	vadd.f32 $1.111111120e-01, v51  }
0x80: {  	v40 =	vadd.f32 v28, v28;
	v3 =	vadd.f32 v34, v3;
	v20 =	vmul.f32 v47, v56  }
0x81: {  	v17 =	vsub.f32 v19, v17;
	v57 =	vmul.f32 v54, v22;
	v55 =	vmul.f32 v53, v49  }
0x82: {  	v2 =	vadd.f32 v36, v2;
	v45 =	vsel vm0, $0x3F800000, v0;
	v61 =	vmul.f32 v20, v20  }
0x83: {  	v21 =	vshll.u32 v60, $0x1;
	v17 =	vadd.f32 v57, v17;
	v58 =	vadd.f32 $1.428571490e-01, v55  }
0x84: {  	v1 =	vadd.f32 v45, v1;
	v21 =	vadd.s32 v62, v21;
	v32 =	vmul.f32 $9.090909360e-02, v61  }
0x85: {  	v25 =	vnsel vm0, $0x0, v17;
	v59 =	vmul.f32 v58, v49;
	v33 =	vadd.f32 $-1.000000000e+00, v30  }
0x86: {  	vm8 =	veq.s32 v21, $0x1;
	v5 =	vadd.f32 v25, v5;
	v25 =	vadd.f32 $1.111111120e-01, v32;
	v35 =	vpop (erf)  }
0x87: {  	vm9 =	veq.s32 v21, $0x0;
	v19 =	vadd.f32 $2.000000030e-01, v59;
	v26 =	vmul.f32 v35, v33  }
0x88: {  	vm3 =	veq.s32 v21, $0x2;
	v13 =	vsel vm8, v13, v14;
	v37 =	vmul.f32 v25, v61  }
0x89: {  	v12 =	vsel vm9, v12, v13;
	v19 =	vmul.f32 v19, v49;
	v38 =	vmul.f32 v26, v26  }
0x8a: {  	v11 =	vsub.f32 v11, v12;
	v63 =	vnsel vm2, $0x0, v17;
	v39 =	vadd.f32 $1.428571490e-01, v37  }
0x8b: {  	v17 =	vnsel vm1, $0x0, v17;
	v19 =	vadd.f32 $3.333333430e-01, v19;
	v41 =	vmul.f32 $9.090909360e-02, v38  }
0x8c: {  	v55 =	vsel vm3, $0x3F800000, v0;
	v6 =	vadd.f32 v63, v6;
	v42 =	vmul.f32 v39, v61  }
0x8d: {  	v4 =	vadd.f32 v17, v4;
	v46 =	vld [tilespmem:s16+$0x8000];
	v19 =	vmul.f32 v19, v49;
	v44 =	vadd.f32 $1.111111120e-01, v41  }
0x8e: {  	v1 =	vadd.f32 v55, v1;
	v47 =	vld [tilespmem:s16+$0x6000];
	v13 =	vadd.f32 $2.000000030e-01, v42  }
0x8f: {  	v49 =	vsel vm9, $0x3F800000, v0;
	v19 =	vadd.f32 $1.000000000e+00, v19;
	v14 =	vmul.f32 v44, v38  }
0x90: {  	v50 =	vsel vm8, $0x3F800000, v0;
	v3 =	vadd.f32 v49, v3;
	v13 =	vmul.f32 v13, v61  }
0x91: {  	v2 =	vadd.f32 v50, v2;
	v43 =	vmul.f32 v19, v40;
	v14 =	vadd.f32 $1.428571490e-01, v14  }
0x92: {  	v19 =	vshll.u32 v46, $0x1;
	v52 =	vadd.f32 v20, v20;
	v13 =	vadd.f32 $3.333333430e-01, v13  }
0x93: {  	v12 =	vadd.s32 v47, v19;
	v11 =	vadd.f32 v43, v11;
	v14 =	vmul.f32 v14, v38  }
0x94: {  	vm10 =	veq.s32 v12, $0x0;
	vm11 =	veq.s32 v12, $0x1;
	v13 =	vmul.f32 v13, v61  }
0x95: {  	v51 =	vld [tilespmem:s17+$0x8000];
	vm14 =	veq.s32 v12, $0x2;
	v7 =	vsel vm11, v8, v7;
	v14 =	vadd.f32 $2.000000030e-01, v14  }
0x96: {  	v53 =	vld [tilespmem:s17+$0x6000];
	v59 =	vsel vm10, $0x3F800000, v0;
	v60 =	vsel vm11, $0x3F800000, v0;
	v8 =	vadd.f32 $1.000000000e+00, v13  }
0x97: {  	v48 =	vnsel vm9, $0x0, v11;
	v7 =	vsel vm10, v9, v7;
	v54 =	vmul.f32 v14, v38  }
0x98: {  	v21 =	vnsel vm3, $0x0, v11;
	v7 =	vsub.f32 v10, v7;
	v8 =	vmul.f32 v8, v52  }
0x99: {  	v11 =	vnsel vm8, $0x0, v11;
	v3 =	vadd.f32 v59, v3;
	v9 =	vadd.f32 $3.333333430e-01, v54  }
0x9a: {  	v2 =	vadd.f32 v60, v2;
	v7 =	vadd.f32 v8, v7;
	v8 =	vshll.u32 v51, $0x1  }
0x9b: {  	v5 =	vadd.f32 v21, v5;
	v8 =	vadd.s32 v53, v8;
	v9 =	vmul.f32 v9, v38  }
0x9c: {  	v6 =	vadd.f32 v48, v6;
	v58 =	vadd.f32 v26, v26;
	vm13 =	veq.s32 v8, $0x1  }
0x9d: {  	vm12 =	veq.s32 v8, $0x0;
	v57 =	vsel vm13, v18, v16;
	v9 =	vadd.f32 $1.000000000e+00, v9  }
0x9e: {  	v4 =	vadd.f32 v11, v4;
	v61 =	vsel vm14, $0x3F800000, v0;
	v11 =	vsel vm12, v15, v57  }
0x9f: {  	v1 =	vadd.f32 v61, v1;
	v11 =	vsub.f32 v24, v11;
	v9 =	vmul.f32 v9, v58  }
0xa0: {  	s15 =	sadd.s32 $0x1, s15;
	v56 =	vnsel vm10, $0x0, v7;
	v12 =	vnsel vm14, $0x0, v7;
	v7 =	vnsel vm11, $0x0, v7  }
0xa1: {  	p0 =	sne.s32 s15, $0x10;
	vm15 =	veq.s32 v8, $0x2;
	v4 =	vadd.f32 v7, v4;
	v7 =	vadd.f32 v9, v11  }
.Ltmp1:
0xa2: {  	v5 =	vadd.f32 v12, v5;
	v6 =	vadd.f32 v56, v6;
	v63 =	vsel vm13, $0x3F800000, v0;
	(pc) =	sbr.rel @p0 .LBB2_2-.Ltmp1, $4  }
0xa3: {  	v2 =	vadd.f32 v63, v2;
	v8 =	vnsel vm15, $0x0, v7;
	v62 =	vnsel vm12, $0x0, v7  }
0xa4: {  	v7 =	vnsel vm13, $0x0, v7;
	v5 =	vadd.f32 v8, v5;
	v8 =	vsel vm12, $0x3F800000, v0  }
0xa5: {  	v6 =	vadd.f32 v62, v6;
	v4 =	vadd.f32 v7, v4;
	v7 =	vsel vm15, $0x3F800000, v0  }
0xa6: {  	v3 =	vadd.f32 v8, v3;
	v1 =	vadd.f32 v7, v1  }
0xa7: {  	[tilespmem:$0xA000] =	vst v6  }
0xa8: {  	[tilespmem:$0xA010] =	vst v4  }
0xa9: {  	[tilespmem:$0xA020] =	vst v5  }
0xaa: {  	[tilespmem:$0xA040] =	vst v2;
	s14 =	sadd.s32 $0x1, s14  }
0xab: {  	[tilespmem:$0xA030] =	vst v3;
	p0 =	sne.s32 s14, s7  }
.Ltmp2:
0xac: {  	[tilespmem:$0xA050] =	vst v1;
	(pc) =	sbr.rel @p0 .LBB2_1-.Ltmp2, $4  }
0xad: {  	[hbm4b:s6+s3] =	stream.linear.scatter [tilespmem:s13], [sflag:$0x1], $0x80, $0x38;
	[tilespmem:$0xA080] =	vst v63  }
0xae: {  	_ =	swait.ge [sflag:s8], $0x80  }
0xaf: {  	[sflag:s8] =	ssyncset.done $0x0  }
0xb0: {  	[sflag:s8] =	ssyncadd.s32 $0xFFFFFF80  }
0xb1: {  	_ =	sfence.sel $0x180000  }
0xb2: {  	[bflag:$0x0] =	sbarrier.arrive $0xFFFF  }
0xb3: {  	p0 =	sne.s32 s1, $0x0;
	_ =	strace $0x9000004D  }
0xb4: {  	s0 =	sadd.s32 @!p0 $0x100000, s0;
	[bflag:$0x2] =	sbarrier.arrive $0xFFFF  }
0xb5: {  	[sflag:s0] =	ssyncadd.tile.s32 @!p0 $0x1;
	_ =	shalt  }
.Lfunc_end2:
_tile_overlayer_lowered:
.L_overlay_start_2:
0xb6: {  	(tag) =	ssettag $0x2  }
0xb7: {  	s0 =	rddreg [dreg:$0x0];
	s2 =	stileid.u32  }
0xb8: {  	s1 =	rddreg [dreg:$0x1];
	p0 =	sne.s32 s2, $0x0  }
0xb9: {  	s3 =	rddreg [dreg:$0x2];
	[bflag:$0x3] =	sbarrier.arrive $0xFFFF;
	s2 =	simm.s32 @!p0 $0x1C01  }
0xba: {  	[timem:s3], [sflag:s2] =	dma.local @!p0 [hbm:s0], s1  }
0xbb: {  	s0 =	simm.s32 @!p0 $0x1  }
0xbc: {  	_ =	swait.ge @!p0 [sflag:s0], s1  }
0xbd: {  	s1 =	ssub.s32 @!p0 $0x0, s1;
	[sflag:s0] =	ssyncset.done @!p0 $0x0  }
0xbe: {  	[sflag:s0] =	ssyncadd.s32 @!p0 s1  }
0xbf: {  	[bflag:$0x3] =	sbarrier.arrive $0xFFFF  }
0xc0: {  	_ =	shalt  }

// kernel: sparse-core-data-format-call.1.cloned.1.call-start
scs
called_computation.1_lowered:
.L_overlay_start_0:
0x0: {  	s2 =	sld [smem:$0x3FD9]  }
0x1: {  	s3 =	sld [smem:$0x3FFE];
	_ =	sdelay $0x1  }
0x2: {  	s1 =	srdreg.scid  }
0x3: {  	s0 =	sand.u32 $0x1, s1  }
0x4: {  	s18 =	sshll.u32 s0, $0xA;
	s2 =	sadd.s32 s3, s2  }
0x5: {  	s2 =	sadd.s32 s2, s18  }
0x6: {  	[smem:$0x3FC6] =	sst s2  }
0x7: {  	_ = 	snop  }
0x8: {  	s2 =	sld [smem:$0x3FC9];
	(tm) =	ssettm $0x1  }
0x9: {  	s19 =	sld [smem:$0x3FFB];
	_ =	sdelay $0x3  }
0xa: {  	_ =	strace s19  }
0xb: {  	s3 =	sld [smem:$0x3FFC];
	_ =	sdelay $0x3  }
0xc: {  	_ =	strace s3  }
0xd: {  	s3 =	sld [smem:$0x3FFD];
	_ =	sdelay $0x3  }
0xe: {  	_ =	strace s3  }
0xf: {  	_ =	strace $0x8FFFFFFF  }
0x10: {  	s20 =	sld [smem:$0x3FDB];
	_ =	sdelay $0x1  }
0x11: {  	s4 =	simm.s32 $_scs_section_size  }
0x12: {  	s5 =	simm.s32 $_size__tile_overlayer_lowered;
	s6 =	simm.s32 $_tile_overlayer_lowered  }
0x13: {  	s23 =	simm.s32 $0x1BFF;
	s22 =	sshll.u32 s6, $0x1;
	s3 =	sadd.s32 s4, s20  }
0x14: {  	s7 =	simm.s32 $0x0;
	s21 =	sshll.u32 s5, $0x1;
	s5 =	sadd.s32 s22, s3  }
0x15: {  	[timem:s7], [sflag:s23] =	dma.local [hbm:s5], s21  }
0x16: {  	_ =	swait.ge [sflag:s23], s21  }
0x17: {  	s4 =	ssub.s32 $0x0, s21;
	[sflag:s23] =	ssyncset.done $0x0  }
0x18: {  	[sflag:s23] =	ssyncadd.s32 s4;
	_ =	sdelay $0x1  }
0x19: {  	s24 =	simm.s32 $0x1B8B  }
0x1a: {  	_ =	swait.ge [sflag:s24], $0x1  }
0x1b: {  	[sflag:s24] =	ssyncset.done $0x0  }
0x1c: {  	s26 =	simm.s32 $0x1B8E;
	s25 =	sld [smem:$0x3FFE];
	[sflag:s24] =	ssyncadd.s32 $0xFFFFFFFF  }
0x1d: {  	s27 =	simm.s32 $execute0_lowered;
	[smem:$0x3FD2] =	sst s26  }
0x1e: {  	s5 =	sshll.u32 s27, $0x1;
	_ =	strace $0x80000046;
	[dreg:$0x1] =	wrdreg $0xFFFFFFFF  }
0x1f: {  	s28 =	simm.s32 $_size_execute0_lowered;
	s3 =	sadd.s32 s3, s5;
	[dreg:$0x0] =	wrdreg $0x0  }
0x20: {  	s5 =	sshll.u32 s28, $0x1;
	[dreg:$0x2] =	wrdreg s3  }
0x21: {  	[dreg:$0x3] =	wrdreg s5  }
0x22: {  	[dreg:$0x4] =	wrdreg $0xC0  }
0x23: {  	_ =	task [dreg:s7], $0x5FFFF  }
0x24: {  	[dreg:$0x1] =	wrdreg $0xFFFFFFFF  }
0x25: {  	[dreg:$0x0] =	wrdreg $0x60  }
0x26: {  	[dreg:$0x2] =	wrdreg s2  }
0x27: {  	[dreg:$0x3] =	wrdreg s25  }
0x28: {  	[dreg:$0x4] =	wrdreg $0xA  }
0x29: {  	_ =	task.clear_ibuf [dreg:s7], $0x5FFFF;
	_ =	strace $0x90000046  }
0x2a: {  	s29 =	simm.s32 $0xA;
	_ =	strace $0x80000048  }
0x2b: {  	_ =	swait.ge [sflag:s29], $0x1  }
0x2c: {  	[sflag:s29] =	ssyncadd.s32 $0xFFFFFFFF  }
0x2d: {  	_ =	strace $0x90000048  }
0x2e: {  	_ =	sfence  }
0x2f: {  	s30 =	sld [smem:$0x0];
	_ =	sdelay $0x2  }
0x30: {  	s31 =	sshll.u32 s1, $0xD;
	s1 =	sshrl.u32 s1, $0x2  }
0x31: {  	s3 =	sand.u32 $0x4000, s31;
	s1 =	sadd.s32 s1, s30  }
0x32: {  	s0 =	sor.u32 s3, s0;
	s1 =	sshll.u32 s1, $0x11  }
0x33: {  	s0 =	sor.u32 s1, s0  }
0x34: {  	s0 =	sadd.s32 $0x8F2B, s0  }
0x35: {  	[sflag:s0] =	ssyncadd.remote.s32 $0x1  }
0x36: {  	_ =	sfence.sel $0xFFFF  }
0x37: {  	[dreg:$0x0] =	wrdreg $0xFFFFFFFF;
	(pc) =	sbr.abs _section_cstart, $3  }
0x38: {  	[dreg:$0x1] =	wrdreg $0xFFFFFFFF  }
0x39: {  	_ =	task.clear_ibuf [dreg:s7], $0x2FFFF;
	_ =	strace $0x9FFFFFFF  }
0x3a: {  	(tm) =	ssettm $0x7FFFFFFF  }
0x3b: {  	_ =	shalt  }
tec
execute0_lowered:
.L_overlay_start_1:
0x0: {  	(tag) =	ssettag $0x1  }
0x1: {  	s0 =	srdreg.scid  }
0x2: {  	s1 =	sshll.u32 s0, $0x4  }
0x3: {  	s2 =	rddreg [dreg:$0x0];
	s0 =	stileid.u32;
	s1 =	sand.u32 $0x10, s1  }
0x4: {  	s4 =	rddreg [dreg:$0x1];
	s1 =	sor.u32 s0, s1  }
0x5: {  	s7 =	simm.s32 $0x1;
	s8 =	simm.s32 $0x2;
	s3 =	sshll.u32 s1, $0x3  }
0x6: {  	s9 =	simm.s32 $0x0;
	s12 =	simm.s32 $0x0;
	s6 =	ssub.s32 $0x1800, s3  }
.Ltmp0:
0x7: {  	s11 =	simm.s32 $0x0;
	s5 =	sand.u32 $0xF8, s6;
	(pc) =	sbr.rel .LBB1_1-.Ltmp0, $4  }
0x8: {  	s1 =	rddreg [dreg:$0x2];
	_ =	strace $0x80000047;
	p0 =	sne.s32 s5, $0x0  }
0x9: {  	s6 =	sshrl.u32 s6, $0x8;
	s5 =	simm.s32 $0x1;
	s7 =	simm.s32 @!p0 $0x0  }
0xa: {  	s10 =	smov.u32 s3;
	[sflag:s5] =	ssyncpa.u1 $0x0;
	s6 =	sadd.s32 s7, s6  }
0xb: {  	[sflag:s8] =	ssyncpa.u1 $0x0;
	s8 =	simm.s32 $0x0;
	s7 =	sadd.s32 $0x1, s6  }
.LBB1_9:
0xc: {  	s14 =	sadd.s32 $0x100, s10  }
0xd: {  	p1 =	sgt.s32 s14, $0x17FF  }
0xe: {  	s14 =	smov.u32 @p1 s3;
	p1 =	sne.s32 s11, s7  }
.Ltmp1:
0xf: {  	p0 =	slt.u32 s11, $0x2;
	(pc) =	sbr.rel @!p1 .LBB1_10-.Ltmp1, $4  }
0x10: {  	s13 =	simm.s32 @!p0 $0x2  }
0x11: {  	s15 =	sadd.s32 $0x1, s11;
	_ =	swait.ge @!p0 [sflag:s13], $0x4000  }
0x12: {  	s12 =	smov.u32 s10;
	s9 =	sadd.s32 $0x4000, s9;
	[sflag:s13] =	ssyncset.done @!p0 $0x0  }
0x13: {  	s11 =	smov.u32 s15;
	s10 =	smov.u32 s14;
	[sflag:s13] =	ssyncadd.s32 @!p0 $0xFFFFC000  }
.LBB1_1:
0x14: {  	p0 =	sge.u32 s11, s6  }
0x15: {  	s13 =	sxor.u32 @!p0 $0xFFFFFFFF, s11  }
0x16: {  	s31 =	sadd.s32 $0xFFFFFFFF, s11;
	s14 =	sshll.u32 @!p0 s10, $0x8;
	s13 =	sshll.u32 @!p0 s13, $0xE  }
0x17: {  	s15 =	simm.s32 @!p0 $0x0;
	s14 =	sadd.s32 @!p0 s2, s14;
	s13 =	sand.u32 @!p0 $0x4000, s13  }
0x18: {  	[tilespmem:s13], [sflag:$0x1] =	stream.linear.gather @!p0 [hbm4b:s14+s15], $0x4000, $0x38;
	[tilespmem:$0x10000] =	vst v63  }
0x19: {  	p0 =	sge.u32 s31, s6  }
.Ltmp2:
0x1a: {  	_ = 	snop;
	(pc) =	sbr.rel @p0 .LBB1_9-.Ltmp2, $1  }
0x1b: {  	_ =	sdelay $0x3  }
0x1c: {  	s13 =	sshll.u32 s9, $0x2;
	_ =	swait.ge [sflag:s5], $0x4000;
	s14 =	sshll.u32 s11, $0xE  }
0x1d: {  	s16 =	simm.s32 $0x0;
	s17 =	simm.s32 $0x0;
	s15 =	sand.u32 $0x10000, s13  }
0x1e: {  	[sflag:s5] =	ssyncset.done $0x0;
	s31 =	sand.u32 $0x4000, s14;
	s14 =	sshrl.u32 s15, $0x2  }
0x1f: {  	[sflag:s5] =	ssyncadd.s32 $0xFFFFC000;
	s13 =	sor.u32 $0x8000, s31;
	s15 =	sor.u32 $0x8000, s14  }
.LBB1_3:
0x20: {  	s18 =	sshra.s32 s16, $0x2  }
0x21: {  	v0 =	vmov s18;
	_ =	sdelay $0x3  }
0x22: {  	p1 =	por $0x1, $0x1;
	s18 =	simm.s32 $0x0  }
.LBB1_4:
0x23: {  	_ = 	snop  }
0x24: {  	s19 =	sshll.u32 s18, $0xA  }
0x25: {  	s19 =	sand.u32 $0x3FFFFC00, s19  }
0x26: {  	s19 =	sadd.s32 s19, s14  }
0x27: {  	v5 =	vld.idx.msk [tilespmem:v0+s19+$0x70 ss:$0x1], $0xffff  }
0x28: {  	v6 =	vld.idx.msk [tilespmem:v0+s19+$0x10 ss:$0x1], $0xffff  }
0x29: {  	v7 =	vld.idx.msk [tilespmem:v0+s19+$0x20 ss:$0x1], $0xffff  }
0x2a: {  	s31 =	sshll.u32 s18, $0x7;
	v1 =	vld.idx.msk [tilespmem:v0+s19+$0x30 ss:$0x1], $0xffff  }
0x2b: {  	s18 =	sand.u32 $0x3FFFFF80, s31;
	v2 =	vld.idx.msk [tilespmem:v0+s19+$0x40 ss:$0x1], $0xffff  }
0x2c: {  	s18 =	sadd.s32 s18, s15;
	v3 =	vld.idx.msk [tilespmem:v0+s19+$0x50 ss:$0x1], $0xffff  }
0x2d: {  	v4 =	vld.idx.msk [tilespmem:v0+s19+$0x60 ss:$0x1], $0xffff;
	[tilespmem:v0+s18+$0x70 ss:$0x1] =	vst.idx.msk $0xffff, v5  }
0x2e: {  	v5 =	vld.idx.msk [tilespmem:v0+s19+$0x0 ss:$0x1], $0xffff;
	[tilespmem:v0+s18+$0x10 ss:$0x1] =	vst.idx.msk $0xffff, v6;
	s19 =	sadd.s32 $0x80, s19  }
0x2f: {  	p0 =	por p1, p1;
	s20 =	simm.s32 $0x6;
	[tilespmem:v0+s18+$0x20 ss:$0x1] =	vst.idx.msk $0xffff, v7;
	v6 =	vld.idx.msk [tilespmem:v0+s19+$0x70 ss:$0x1], $0xffff  }
.LBB1_5:
0x30: {  	p1 =	sne.s32 s20, $0x1;
	v7 =	vld.idx.msk [tilespmem:v0+s19+$0x10 ss:$0x1], $0xffff;
	[tilespmem:v0+s18+$0x30 ss:$0x1] =	vst.idx.msk $0xffff, v1  }
0x31: {  	v8 =	vld.idx.msk [tilespmem:v0+s19+$0x20 ss:$0x1], $0xffff;
	[tilespmem:v0+s18+$0x40 ss:$0x1] =	vst.idx.msk $0xffff, v2  }
0x32: {  	v1 =	vld.idx.msk [tilespmem:v0+s19+$0x30 ss:$0x1], $0xffff;
	[tilespmem:v0+s18+$0x50 ss:$0x1] =	vst.idx.msk $0xffff, v3  }
.Ltmp3:
0x33: {  	v2 =	vld.idx.msk [tilespmem:v0+s19+$0x40 ss:$0x1], $0xffff;
	[tilespmem:v0+s18+$0x60 ss:$0x1] =	vst.idx.msk $0xffff, v4;
	(pc) =	sbr.rel @p1 .LBB1_5-.Ltmp3, $4  }
0x34: {  	v3 =	vld.idx.msk [tilespmem:v0+s19+$0x50 ss:$0x1], $0xffff;
	[tilespmem:v0+s18+$0x0 ss:$0x1] =	vst.idx.msk $0xffff, v5;
	s18 =	sadd.s32 $0x100, s18  }
0x35: {  	v4 =	vld.idx.msk [tilespmem:v0+s19+$0x60 ss:$0x1], $0xffff;
	[tilespmem:v0+s18+$0x70 ss:$0x1] =	vst.idx.msk $0xffff, v6  }
0x36: {  	v5 =	vld.idx.msk [tilespmem:v0+s19+$0x0 ss:$0x1], $0xffff;
	[tilespmem:v0+s18+$0x10 ss:$0x1] =	vst.idx.msk $0xffff, v7;
	s19 =	sadd.s32 $0x80, s19  }
0x37: {  	s20 =	sadd.s32 $0xFFFFFFFF, s20;
	v6 =	vld.idx.msk [tilespmem:v0+s19+$0x70 ss:$0x1], $0xffff;
	[tilespmem:v0+s18+$0x20 ss:$0x1] =	vst.idx.msk $0xffff, v8  }
0x38: {  	_ =	sdelay $0x3  }
0x39: {  	[tilespmem:v0+s18+$0x30 ss:$0x1] =	vst.idx.msk $0xffff, v1  }
0x3a: {  	v1 =	vld.idx.msk [tilespmem:v0+s19+$0x10 ss:$0x1], $0xffff;
	[tilespmem:v0+s18+$0x40 ss:$0x1] =	vst.idx.msk $0xffff, v2  }
0x3b: {  	v2 =	vld.idx.msk [tilespmem:v0+s19+$0x20 ss:$0x1], $0xffff;
	[tilespmem:v0+s18+$0x50 ss:$0x1] =	vst.idx.msk $0xffff, v3  }
0x3c: {  	v61 =	vld.idx.msk [tilespmem:v0+s19+$0x40 ss:$0x1], $0xffff;
	[tilespmem:v0+s18+$0x60 ss:$0x1] =	vst.idx.msk $0xffff, v4  }
0x3d: {  	s31 =	sadd.s32 $0x100, s18;
	v62 =	vld.idx.msk [tilespmem:v0+s19+$0x50 ss:$0x1], $0xffff;
	[tilespmem:v0+s18+$0x0 ss:$0x1] =	vst.idx.msk $0xffff, v5  }
0x3e: {  	v63 =	vld.idx.msk [tilespmem:v0+s19+$0x60 ss:$0x1], $0xffff;
	[tilespmem:v0+s31+$0x70 ss:$0x1] =	vst.idx.msk $0xffff, v6  }
0x3f: {  	v3 =	vld.idx.msk [tilespmem:v0+s19+$0x30 ss:$0x1], $0xffff;
	[tilespmem:v0+s31+$0x10 ss:$0x1] =	vst.idx.msk $0xffff, v1  }
0x40: {  	v1 =	vld.idx.msk [tilespmem:v0+s19+$0x0 ss:$0x1], $0xffff;
	[tilespmem:v0+s31+$0x20 ss:$0x1] =	vst.idx.msk $0xffff, v2  }
.Ltmp4:
0x41: {  	[tilespmem:v0+s31+$0x40 ss:$0x1] =	vst.idx.msk $0xffff, v61;
	(pc) =	sbr.rel @p0 .LBB1_4-.Ltmp4, $4  }
0x42: {  	[tilespmem:v0+s31+$0x50 ss:$0x1] =	vst.idx.msk $0xffff, v62  }
0x43: {  	[tilespmem:v0+s31+$0x60 ss:$0x1] =	vst.idx.msk $0xffff, v63  }
0x44: {  	[tilespmem:v0+s31+$0x30 ss:$0x1] =	vst.idx.msk $0xffff, v3  }
0x45: {  	p1 =	por $0x0, $0x0;
	s18 =	simm.s32 $0x1;
	[tilespmem:v0+s31+$0x0 ss:$0x1] =	vst.idx.msk $0xffff, v1  }
0x46: {  	s17 =	sadd.s32 $0x1, s17  }
0x47: {  	p0 =	sne.s32 s17, $0x8  }
.Ltmp5:
0x48: {  	_ = 	snop;
	(pc) =	sbr.rel @p0 .LBB1_3-.Ltmp5, $2  }
0x49: {  	_ =	sdelay $0x2  }
0x4a: {  	s16 =	sadd.s32 $0x2000, s16  }
.Ltmp6:
0x4b: {  	(pc) =	sbr.rel .LBB1_9-.Ltmp6, $4  }
0x4c: {  	_ = 	snop  }
0x4d: {  	s12 =	sshll.u32 s12, $0x8  }
0x4e: {  	s12 =	sadd.s32 s4, s12  }
0x4f: {  	[hbm4b:s12+s8] =	stream.linear.scatter [tilespmem:s13], [sflag:$0x2], $0x4000, $0x38;
	[tilespmem:$0x10000] =	vst v63  }
.LBB1_10:
0x50: {  	_ =	sfence.sel $0x180000  }
0x51: {  	s2 =	simm.s32 $0x1;
	[bflag:$0x0] =	sbarrier.arrive $0xFFFF  }
0x52: {  	s31 =	simm.s32 $0x2;
	[sflag:s2] =	ssyncpa.u1 $0x1  }
0x53: {  	[sflag:s31] =	ssyncpa.u1 $0x1  }
0x54: {  	p0 =	sne.s32 s0, $0x0;
	_ =	strace $0x90000047  }
0x55: {  	s0 =	sadd.s32 @!p0 $0x100000, s1;
	[bflag:$0x2] =	sbarrier.arrive $0xFFFF  }
0x56: {  	[sflag:s0] =	ssyncadd.tile.s32 @!p0 $0x1;
	_ =	shalt  }
.Lfunc_end1:
_tile_overlayer_lowered:
.L_overlay_start_2:
0x57: {  	(tag) =	ssettag $0x2  }
0x58: {  	s0 =	rddreg [dreg:$0x0];
	s2 =	stileid.u32  }
0x59: {  	s1 =	rddreg [dreg:$0x1];
	p0 =	sne.s32 s2, $0x0  }
0x5a: {  	s3 =	rddreg [dreg:$0x2];
	[bflag:$0x3] =	sbarrier.arrive $0xFFFF;
	s2 =	simm.s32 @!p0 $0x1C01  }
0x5b: {  	[timem:s3], [sflag:s2] =	dma.local @!p0 [hbm:s0], s1  }
0x5c: {  	s0 =	simm.s32 @!p0 $0x1  }
0x5d: {  	_ =	swait.ge @!p0 [sflag:s0], s1  }
0x5e: {  	s1 =	ssub.s32 @!p0 $0x0, s1;
	[sflag:s0] =	ssyncset.done @!p0 $0x0  }
0x5f: {  	[sflag:s0] =	ssyncadd.s32 @!p0 s1  }
0x60: {  	[bflag:$0x3] =	sbarrier.arrive $0xFFFF  }
0x61: {  	_ =	shalt  }

// kernel: sparse-core-data-format-call.cloned.1.call-start
scs
called_computation_lowered:
.L_overlay_start_0:
0x0: {  	s2 =	sld [smem:$0x3FD9]  }
0x1: {  	s3 =	sld [smem:$0x3FFE];
	_ =	sdelay $0x1  }
0x2: {  	s1 =	srdreg.scid  }
0x3: {  	s0 =	sand.u32 $0x1, s1  }
0x4: {  	s18 =	sshll.u32 s0, $0xA;
	s2 =	sadd.s32 s3, s2  }
0x5: {  	s2 =	sadd.s32 s2, s18  }
0x6: {  	[smem:$0x3FC6] =	sst s2  }
0x7: {  	_ = 	snop  }
0x8: {  	s19 =	sld [smem:$0x3FC8];
	(tm) =	ssettm $0x1  }
0x9: {  	s20 =	sld [smem:$0x3FFB];
	_ =	sdelay $0x3  }
0xa: {  	_ =	strace s20  }
0xb: {  	s2 =	sld [smem:$0x3FFC];
	_ =	sdelay $0x3  }
0xc: {  	_ =	strace s2  }
0xd: {  	s2 =	sld [smem:$0x3FFD];
	_ =	sdelay $0x3  }
0xe: {  	_ =	strace s2  }
0xf: {  	_ =	strace $0x8FFFFFFF  }
0x10: {  	s21 =	sld [smem:$0x3FDB];
	_ =	sdelay $0x1  }
0x11: {  	s4 =	simm.s32 $_scs_section_size  }
0x12: {  	s5 =	simm.s32 $_size__tile_overlayer_lowered;
	s6 =	simm.s32 $_tile_overlayer_lowered  }
0x13: {  	s7 =	simm.s32 $0x1BFF;
	s22 =	sshll.u32 s6, $0x1;
	s4 =	sadd.s32 s4, s21  }
0x14: {  	s23 =	simm.s32 $0x0;
	s5 =	sshll.u32 s5, $0x1;
	s6 =	sadd.s32 s22, s4  }
0x15: {  	[timem:s23], [sflag:s7] =	dma.local [hbm:s6], s5  }
0x16: {  	_ =	swait.ge [sflag:s7], s5  }
0x17: {  	s5 =	ssub.s32 $0x0, s5;
	[sflag:s7] =	ssyncset.done $0x0  }
0x18: {  	[sflag:s7] =	ssyncadd.s32 s5;
	_ =	sdelay $0x1  }
0x19: {  	s24 =	simm.s32 $0x1B8B  }
0x1a: {  	_ =	swait.ge [sflag:s24], $0x1  }
0x1b: {  	[sflag:s24] =	ssyncset.done $0x0  }
0x1c: {  	[sflag:s24] =	ssyncadd.s32 $0xFFFFFFFF  }
0x1d: {  	s5 =	sld [smem:$0x0]  }
0x1e: {  	s6 =	sand.u32 $0xFFFFFFFE, s1  }
0x1f: {  	p0 =	sne.s32 s1, s6  }
0x20: {  	s6 =	sshll.u32 @p0 s6, $0xE  }
0x21: {  	s6 =	sadd.s32 @p0 $0x11B8D, s6;
	s7 =	sshll.u32 @p0 s5, $0x11  }
0x22: {  	s6 =	sor.u32 @p0 s7, s6  }
0x23: {  	[sflag:s6] =	ssyncadd.remote.s32 @p0 $0x1;
	_ =	sdelay $0x1  }
0x24: {  	s6 =	simm.s32 @p0 $0x1B8D  }
0x25: {  	_ =	swait.eq @p0 [sflag:s6], $0x1  }
0x26: {  	[sflag:s6] =	ssyncadd.s32 @p0 $0xFFFFFFFF  }
0x27: {  	s7 =	sshll.u32 @!p0 s1, $0xE  }
0x28: {  	s7 =	sor.u32 @!p0 $0x4000, s7;
	s6 =	simm.s32 @!p0 $0x1B8D  }
0x29: {  	s5 =	sshll.u32 @!p0 s5, $0x11;
	s7 =	sadd.s32 @!p0 $0x11B8D, s7;
	_ =	swait.eq @!p0 [sflag:s6], $0x1  }
0x2a: {  	s5 =	sor.u32 @!p0 s5, s7;
	[sflag:s6] =	ssyncadd.s32 @!p0 $0xFFFFFFFF  }
0x2b: {  	s26 =	simm.s32 $0x1B8E;
	s25 =	sld [smem:$0x3FFE];
	[sflag:s5] =	ssyncadd.remote.s32 @!p0 $0x1  }
0x2c: {  	s27 =	simm.s32 $execute0_lowered;
	[smem:$0x3FD2] =	sst s26  }
0x2d: {  	s6 =	sshll.u32 s27, $0x1;
	_ =	strace $0x80000049;
	[dreg:$0x1] =	wrdreg $0xFFFFFFFF  }
0x2e: {  	s28 =	simm.s32 $_size_execute0_lowered;
	s4 =	sadd.s32 s4, s6;
	[dreg:$0x0] =	wrdreg $0x0  }
0x2f: {  	s6 =	sshll.u32 s28, $0x1;
	[dreg:$0x2] =	wrdreg s4  }
0x30: {  	[dreg:$0x3] =	wrdreg s6  }
0x31: {  	[dreg:$0x4] =	wrdreg $0xC0  }
0x32: {  	_ =	task [dreg:s23], $0x5FFFF  }
0x33: {  	[dreg:$0x1] =	wrdreg $0xFFFFFFFF  }
0x34: {  	[dreg:$0x0] =	wrdreg $0x60  }
0x35: {  	[dreg:$0x2] =	wrdreg s19  }
0x36: {  	[dreg:$0x3] =	wrdreg s25  }
0x37: {  	[dreg:$0x4] =	wrdreg $0x9  }
0x38: {  	_ =	task.clear_ibuf [dreg:s23], $0x5FFFF;
	_ =	strace $0x90000049  }
0x39: {  	s29 =	simm.s32 $0x9;
	_ =	strace $0x8000004B  }
0x3a: {  	_ =	swait.ge [sflag:s29], $0x1  }
0x3b: {  	[sflag:s29] =	ssyncadd.s32 $0xFFFFFFFF  }
0x3c: {  	_ =	strace $0x9000004B  }
0x3d: {  	_ =	sfence  }
0x3e: {  	s30 =	sld [smem:$0x0];
	_ =	sdelay $0x2  }
0x3f: {  	s31 =	sshll.u32 s1, $0xD;
	s1 =	sshrl.u32 s1, $0x2  }
0x40: {  	s4 =	sand.u32 $0x4000, s31;
	s1 =	sadd.s32 s1, s30  }
0x41: {  	s0 =	sor.u32 s4, s0;
	s1 =	sshll.u32 s1, $0x11  }
0x42: {  	s0 =	sor.u32 s1, s0  }
0x43: {  	s0 =	sadd.s32 $0x8F2B, s0  }
0x44: {  	[sflag:s0] =	ssyncadd.remote.s32 $0x1  }
0x45: {  	_ =	sfence.sel $0xFFFF  }
0x46: {  	[dreg:$0x0] =	wrdreg $0xFFFFFFFF;
	(pc) =	sbr.abs _section_cstart, $3  }
0x47: {  	[dreg:$0x1] =	wrdreg $0xFFFFFFFF  }
0x48: {  	_ =	task.clear_ibuf [dreg:s23], $0x2FFFF;
	_ =	strace $0x9FFFFFFF  }
0x49: {  	(tm) =	ssettm $0x7FFFFFFF  }
tec
execute0_lowered:
.L_overlay_start_1:
0x0: {  	(tag) =	ssettag $0x1  }
0x1: {  	s0 =	srdreg.scid  }
0x2: {  	s1 =	sshll.u32 s0, $0x4  }
0x3: {  	s2 =	rddreg [dreg:$0x0];
	s0 =	stileid.u32;
	s1 =	sand.u32 $0x10, s1  }
0x4: {  	s4 =	rddreg [dreg:$0x1];
	s7 =	simm.s32 $0x1;
	s1 =	sor.u32 s0, s1  }
0x5: {  	s8 =	simm.s32 $0x2;
	s9 =	simm.s32 $0x0;
	s3 =	sshll.u32 s1, $0x3  }
0x6: {  	s12 =	simm.s32 $0x0;
	s11 =	simm.s32 $0x0;
	s6 =	ssub.s32 $0x1800, s3  }
.Ltmp0:
0x7: {  	s4 =	sadd.s32 $0x180000, s4;
	s5 =	sand.u32 $0xF8, s6;
	(pc) =	sbr.rel .LBB1_1-.Ltmp0, $4  }
0x8: {  	s1 =	rddreg [dreg:$0x2];
	_ =	strace $0x8000004A;
	p0 =	sne.s32 s5, $0x0  }
0x9: {  	s6 =	sshrl.u32 s6, $0x8;
	s5 =	simm.s32 $0x1;
	s7 =	simm.s32 @!p0 $0x0  }
0xa: {  	s10 =	smov.u32 s3;
	[sflag:s5] =	ssyncpa.u1 $0x0;
	s6 =	sadd.s32 s7, s6  }
0xb: {  	[sflag:s8] =	ssyncpa.u1 $0x0;
	s8 =	simm.s32 $0x0;
	s7 =	sadd.s32 $0x1, s6  }
.LBB1_9:
0xc: {  	s14 =	sadd.s32 $0x100, s10  }
0xd: {  	p1 =	sgt.s32 s14, $0x17FF  }
0xe: {  	s14 =	smov.u32 @p1 s3;
	p1 =	sne.s32 s11, s7  }
.Ltmp1:
0xf: {  	p0 =	slt.u32 s11, $0x2;
	(pc) =	sbr.rel @!p1 .LBB1_10-.Ltmp1, $4  }
0x10: {  	s13 =	simm.s32 @!p0 $0x2  }
0x11: {  	s15 =	sadd.s32 $0x1, s11;
	_ =	swait.ge @!p0 [sflag:s13], $0x4000  }
0x12: {  	s12 =	smov.u32 s10;
	s9 =	sadd.s32 $0x4000, s9;
	[sflag:s13] =	ssyncset.done @!p0 $0x0  }
0x13: {  	s11 =	smov.u32 s15;
	s10 =	smov.u32 s14;
	[sflag:s13] =	ssyncadd.s32 @!p0 $0xFFFFC000  }
.LBB1_1:
0x14: {  	p0 =	sge.u32 s11, s6  }
0x15: {  	s13 =	sxor.u32 @!p0 $0xFFFFFFFF, s11  }
0x16: {  	s31 =	sadd.s32 $0xFFFFFFFF, s11;
	s14 =	sshll.u32 @!p0 s10, $0x8;
	s13 =	sshll.u32 @!p0 s13, $0xE  }
0x17: {  	s15 =	simm.s32 @!p0 $0x0;
	s14 =	sadd.s32 @!p0 s2, s14;
	s13 =	sand.u32 @!p0 $0x4000, s13  }
0x18: {  	[tilespmem:s13], [sflag:$0x1] =	stream.linear.gather @!p0 [hbm4b:s14+s15], $0x4000, $0x38;
	[tilespmem:$0x10000] =	vst v63  }
0x19: {  	p0 =	sge.u32 s31, s6  }
.Ltmp2:
0x1a: {  	_ = 	snop;
	(pc) =	sbr.rel @p0 .LBB1_9-.Ltmp2, $1  }
0x1b: {  	_ =	sdelay $0x3  }
0x1c: {  	s13 =	sshll.u32 s9, $0x2;
	_ =	swait.ge [sflag:s5], $0x4000;
	s14 =	sshll.u32 s11, $0xE  }
0x1d: {  	s16 =	simm.s32 $0x0;
	s17 =	simm.s32 $0x0;
	s15 =	sand.u32 $0x10000, s13  }
0x1e: {  	[sflag:s5] =	ssyncset.done $0x0;
	s31 =	sand.u32 $0x4000, s14;
	s14 =	sshrl.u32 s15, $0x2  }
0x1f: {  	[sflag:s5] =	ssyncadd.s32 $0xFFFFC000;
	s13 =	sor.u32 $0x8000, s31;
	s15 =	sor.u32 $0x8000, s14  }
.LBB1_3:
0x20: {  	s18 =	sshra.s32 s16, $0x2  }
0x21: {  	v0 =	vmov s18;
	_ =	sdelay $0x3  }
0x22: {  	p1 =	por $0x1, $0x1;
	s18 =	simm.s32 $0x0  }
.LBB1_4:
0x23: {  	_ = 	snop  }
0x24: {  	s19 =	sshll.u32 s18, $0xA  }
0x25: {  	s19 =	sand.u32 $0x3FFFFC00, s19  }
0x26: {  	s19 =	sadd.s32 s19, s14  }
0x27: {  	v5 =	vld.idx.msk [tilespmem:v0+s19+$0x70 ss:$0x1], $0xffff  }
0x28: {  	v6 =	vld.idx.msk [tilespmem:v0+s19+$0x10 ss:$0x1], $0xffff  }
0x29: {  	v7 =	vld.idx.msk [tilespmem:v0+s19+$0x20 ss:$0x1], $0xffff  }
0x2a: {  	s31 =	sshll.u32 s18, $0x7;
	v1 =	vld.idx.msk [tilespmem:v0+s19+$0x30 ss:$0x1], $0xffff  }
0x2b: {  	s18 =	sand.u32 $0x3FFFFF80, s31;
	v2 =	vld.idx.msk [tilespmem:v0+s19+$0x40 ss:$0x1], $0xffff  }
0x2c: {  	s18 =	sadd.s32 s18, s15;
	v3 =	vld.idx.msk [tilespmem:v0+s19+$0x50 ss:$0x1], $0xffff  }
0x2d: {  	v4 =	vld.idx.msk [tilespmem:v0+s19+$0x60 ss:$0x1], $0xffff;
	[tilespmem:v0+s18+$0x70 ss:$0x1] =	vst.idx.msk $0xffff, v5  }
0x2e: {  	v5 =	vld.idx.msk [tilespmem:v0+s19+$0x0 ss:$0x1], $0xffff;
	[tilespmem:v0+s18+$0x10 ss:$0x1] =	vst.idx.msk $0xffff, v6;
	s19 =	sadd.s32 $0x80, s19  }
0x2f: {  	p0 =	por p1, p1;
	s20 =	simm.s32 $0x6;
	[tilespmem:v0+s18+$0x20 ss:$0x1] =	vst.idx.msk $0xffff, v7;
	v6 =	vld.idx.msk [tilespmem:v0+s19+$0x70 ss:$0x1], $0xffff  }
.LBB1_5:
0x30: {  	p1 =	sne.s32 s20, $0x1;
	v7 =	vld.idx.msk [tilespmem:v0+s19+$0x10 ss:$0x1], $0xffff;
	[tilespmem:v0+s18+$0x30 ss:$0x1] =	vst.idx.msk $0xffff, v1  }
0x31: {  	v8 =	vld.idx.msk [tilespmem:v0+s19+$0x20 ss:$0x1], $0xffff;
	[tilespmem:v0+s18+$0x40 ss:$0x1] =	vst.idx.msk $0xffff, v2  }
0x32: {  	v1 =	vld.idx.msk [tilespmem:v0+s19+$0x30 ss:$0x1], $0xffff;
	[tilespmem:v0+s18+$0x50 ss:$0x1] =	vst.idx.msk $0xffff, v3  }
.Ltmp3:
0x33: {  	v2 =	vld.idx.msk [tilespmem:v0+s19+$0x40 ss:$0x1], $0xffff;
	[tilespmem:v0+s18+$0x60 ss:$0x1] =	vst.idx.msk $0xffff, v4;
	(pc) =	sbr.rel @p1 .LBB1_5-.Ltmp3, $4  }
0x34: {  	v3 =	vld.idx.msk [tilespmem:v0+s19+$0x50 ss:$0x1], $0xffff;
	[tilespmem:v0+s18+$0x0 ss:$0x1] =	vst.idx.msk $0xffff, v5;
	s18 =	sadd.s32 $0x100, s18  }
0x35: {  	v4 =	vld.idx.msk [tilespmem:v0+s19+$0x60 ss:$0x1], $0xffff;
	[tilespmem:v0+s18+$0x70 ss:$0x1] =	vst.idx.msk $0xffff, v6  }
0x36: {  	v5 =	vld.idx.msk [tilespmem:v0+s19+$0x0 ss:$0x1], $0xffff;
	[tilespmem:v0+s18+$0x10 ss:$0x1] =	vst.idx.msk $0xffff, v7;
	s19 =	sadd.s32 $0x80, s19  }
0x37: {  	s20 =	sadd.s32 $0xFFFFFFFF, s20;
	v6 =	vld.idx.msk [tilespmem:v0+s19+$0x70 ss:$0x1], $0xffff;
	[tilespmem:v0+s18+$0x20 ss:$0x1] =	vst.idx.msk $0xffff, v8  }
0x38: {  	_ =	sdelay $0x3  }
0x39: {  	[tilespmem:v0+s18+$0x30 ss:$0x1] =	vst.idx.msk $0xffff, v1  }
0x3a: {  	v1 =	vld.idx.msk [tilespmem:v0+s19+$0x10 ss:$0x1], $0xffff;
	[tilespmem:v0+s18+$0x40 ss:$0x1] =	vst.idx.msk $0xffff, v2  }
0x3b: {  	v2 =	vld.idx.msk [tilespmem:v0+s19+$0x20 ss:$0x1], $0xffff;
	[tilespmem:v0+s18+$0x50 ss:$0x1] =	vst.idx.msk $0xffff, v3  }
0x3c: {  	v61 =	vld.idx.msk [tilespmem:v0+s19+$0x40 ss:$0x1], $0xffff;
	[tilespmem:v0+s18+$0x60 ss:$0x1] =	vst.idx.msk $0xffff, v4  }
0x3d: {  	s31 =	sadd.s32 $0x100, s18;
	v62 =	vld.idx.msk [tilespmem:v0+s19+$0x50 ss:$0x1], $0xffff;
	[tilespmem:v0+s18+$0x0 ss:$0x1] =	vst.idx.msk $0xffff, v5  }
0x3e: {  	v63 =	vld.idx.msk [tilespmem:v0+s19+$0x60 ss:$0x1], $0xffff;
	[tilespmem:v0+s31+$0x70 ss:$0x1] =	vst.idx.msk $0xffff, v6  }
0x3f: {  	v3 =	vld.idx.msk [tilespmem:v0+s19+$0x30 ss:$0x1], $0xffff;
	[tilespmem:v0+s31+$0x10 ss:$0x1] =	vst.idx.msk $0xffff, v1  }
0x40: {  	v1 =	vld.idx.msk [tilespmem:v0+s19+$0x0 ss:$0x1], $0xffff;
	[tilespmem:v0+s31+$0x20 ss:$0x1] =	vst.idx.msk $0xffff, v2  }
.Ltmp4:
0x41: {  	[tilespmem:v0+s31+$0x40 ss:$0x1] =	vst.idx.msk $0xffff, v61;
	(pc) =	sbr.rel @p0 .LBB1_4-.Ltmp4, $4  }
0x42: {  	[tilespmem:v0+s31+$0x50 ss:$0x1] =	vst.idx.msk $0xffff, v62  }
0x43: {  	[tilespmem:v0+s31+$0x60 ss:$0x1] =	vst.idx.msk $0xffff, v63  }
0x44: {  	[tilespmem:v0+s31+$0x30 ss:$0x1] =	vst.idx.msk $0xffff, v3  }
0x45: {  	p1 =	por $0x0, $0x0;
	s18 =	simm.s32 $0x1;
	[tilespmem:v0+s31+$0x0 ss:$0x1] =	vst.idx.msk $0xffff, v1  }
0x46: {  	s17 =	sadd.s32 $0x1, s17  }
0x47: {  	p0 =	sne.s32 s17, $0x8  }
.Ltmp5:
0x48: {  	_ = 	snop;
	(pc) =	sbr.rel @p0 .LBB1_3-.Ltmp5, $2  }
0x49: {  	_ =	sdelay $0x2  }
0x4a: {  	s16 =	sadd.s32 $0x2000, s16  }
.Ltmp6:
0x4b: {  	(pc) =	sbr.rel .LBB1_9-.Ltmp6, $4  }
0x4c: {  	_ = 	snop  }
0x4d: {  	s12 =	sshll.u32 s12, $0x8  }
0x4e: {  	s12 =	sadd.s32 s4, s12  }
0x4f: {  	[hbm4b:s12+s8] =	stream.linear.scatter [tilespmem:s13], [sflag:$0x2], $0x4000, $0x38;
	[tilespmem:$0x10000] =	vst v63  }
.LBB1_10:
0x50: {  	_ =	sfence.sel $0x180000  }
0x51: {  	s2 =	simm.s32 $0x1;
	[bflag:$0x0] =	sbarrier.arrive $0xFFFF  }
0x52: {  	s31 =	simm.s32 $0x2;
	[sflag:s2] =	ssyncpa.u1 $0x1  }
0x53: {  	[sflag:s31] =	ssyncpa.u1 $0x1  }
0x54: {  	p0 =	sne.s32 s0, $0x0;
	_ =	strace $0x9000004A  }
0x55: {  	s0 =	sadd.s32 @!p0 $0x100000, s1;
	[bflag:$0x2] =	sbarrier.arrive $0xFFFF  }
0x56: {  	[sflag:s0] =	ssyncadd.tile.s32 @!p0 $0x1;
	_ =	shalt  }
.Lfunc_end1:
_tile_overlayer_lowered:
.L_overlay_start_2:
0x57: {  	(tag) =	ssettag $0x2  }
0x58: {  	s0 =	rddreg [dreg:$0x0];
	s2 =	stileid.u32  }
0x59: {  	s1 =	rddreg [dreg:$0x1];
	p0 =	sne.s32 s2, $0x0  }
0x5a: {  	s3 =	rddreg [dreg:$0x2];
	[bflag:$0x3] =	sbarrier.arrive $0xFFFF;
	s2 =	simm.s32 @!p0 $0x1C01  }
0x5b: {  	[timem:s3], [sflag:s2] =	dma.local @!p0 [hbm:s0], s1  }
0x5c: {  	s0 =	simm.s32 @!p0 $0x1  }
0x5d: {  	_ =	swait.ge @!p0 [sflag:s0], s1  }
0x5e: {  	s1 =	ssub.s32 @!p0 $0x0, s1;
	[sflag:s0] =	ssyncset.done @!p0 $0x0  }
0x5f: {  	[sflag:s0] =	ssyncadd.s32 @!p0 s1  }
0x60: {  	[bflag:$0x3] =	sbarrier.arrive $0xFFFF  }
0x61: {  	_ =	shalt  }

</sc_bundles>
